<compile_context>
chip_gen: v7x
topology: tpu7x:2x2x1
jax: 0.10.2.dev20260603
libtpu: 0.0.44.dev20260713+nightly
codegen_flags: <defaults>
</compile_context>

<pallas_src>
import functools

import jax
import jax.numpy as jnp
from jax import lax
from jax.experimental import pallas as pl
from jax.experimental.pallas import tpu as pltpu
from jax.experimental.pallas import tpu_sc as plsc

_info = plsc.get_sparse_core_info()
_NC, _NS = _info.num_cores, _info.num_subcores
_NW = _NC * _NS

_K = 50


@functools.lru_cache(maxsize=None)
def _build(h: int, b: int, n_rows: int):
    assert b % (_NW * 8) == 0 and h % _K == 0
    cpw = b // _NW

    mesh = plsc.VectorSubcoreMesh(core_axis_name="c", subcore_axis_name="s")

    @functools.partial(
        pl.kernel,
        mesh=mesh,
        compiler_params=pltpu.CompilerParams(needs_layout_passes=False),
        out_type=jax.ShapeDtypeStruct((h, b), jnp.float32),
        scratch_types=[
            pltpu.VMEM((h, cpw), jnp.int32),
            pltpu.VMEM((h, cpw), jnp.float32),
            pltpu.VMEM_SHARED((n_rows,), jnp.float32),
            pltpu.SemaphoreType.DMA,
        ],
    )
    def gather_kernel(idx_hbm, tab_hbm, out_hbm, idx_v, rows_v, tab_sh,
                      sem_g):
        wid = lax.axis_index("s") * _NC + lax.axis_index("c")
        cb = wid * cpw

        @pl.when(lax.axis_index("s") == 0)
        def _stage():
            pltpu.sync_copy(tab_hbm, tab_sh)

        pltpu.sync_copy(idx_hbm.at[:, pl.ds(cb, cpw)], idx_v)
        plsc.subcore_barrier()

        def step(g, carry):
            j0 = g * _K
            gathers = [
                pltpu.async_copy(tab_sh.at[idx_v.at[j0 + j]],
                                 rows_v.at[j0 + j], sem_g)
                for j in range(_K)
            ]
            for c in gathers:
                c.wait()
            return carry

        lax.fori_loop(0, h // _K, step, 0, unroll=False)
        pltpu.sync_copy(rows_v, out_hbm.at[:, pl.ds(cb, cpw)])

    return gather_kernel


def kernel(input, table):
    b, h = input.shape
    idx_t = jnp.swapaxes(input, 0, 1)
    tab = jnp.squeeze(table, 1)
    out_t = _build(h, b, tab.shape[0])(idx_t, tab)
    return jnp.swapaxes(out_t, 0, 1)[..., None]

# --- scband reference (transcript-rebuilt; emitter-appended) ---
"""Pipeline reference for scband-word-weight-10651518894715 (READ-ONLY COPY).

The authoritative reference and input builder live on the scoring server;
editing this copy changes nothing except your own understanding.
"""

import jax, jax.numpy as jnp
import numpy as np

N_V = 100000  # len(vocab_list) + 4
BATCH = 4096
HIST = 50


def setup_inputs(seed: int = 0) -> dict:
    key = jax.random.key(seed)
    k_idx, k_tab = jax.random.split(key)
    # forward arg: token indices into the mask embedding table
    indices = jax.random.randint(k_idx, (BATCH, HIST), 0, N_V, dtype=jnp.int32)
    # learned parameter: nn.Embedding(n_V, 1) weight. In the original module it is
    # initialized from a binary glove_mask (all ones when attack_corpus == 'all');
    # we materialize it as a trainable [n_V, 1] float table.
    table = jnp.ones((N_V, 1), dtype=jnp.float32)
    return {"input": indices, "table": table}


def reference(input, table):
    # WordWeight.forward: return self.embedding(input)
    # nn.Embedding lookup == row-gather from the weight table.
    return jnp.take(table, input, axis=0)

if __name__ == "__main__":
    import jax
    _d = setup_inputs()
    print(jax.jit(kernel)(*tuple(_d.values())))

</pallas_src>

<mosaic_0001>
#map = affine_map<(d0, d1) -> (0, 0)>
#map1 = affine_map<(d0, d1) -> (0)>
module attributes {stable_mosaic.version = 14 : i64} {
  func.func @gather_kernel(%arg0: i32, %arg1: i32, %arg2: memref<50x4096xi32, #tpu.memory_space<hbm>>, %arg3: memref<100000xf32, #tpu.memory_space<hbm>>, %arg4: memref<50x4096xf32, #tpu.memory_space<hbm>>, %arg5: memref<50x128xi32, #tpu.memory_space<vmem>>, %arg6: memref<50x128xf32, #tpu.memory_space<vmem>>, %arg7: memref<100000xf32, #tpu.memory_space<vmem_shared>>, %arg8: memref<!tpu.dma_semaphore, #tpu.memory_space<semaphore_mem>>) attributes {dimension_semantics = [#tpu.dimension_semantics<core_parallel>, #tpu.dimension_semantics<subcore_parallel>], iteration_bounds = array<i64: 2, 16>, scalar_prefetch = 0 : i64, scratch_operands = 4 : i64, tpu.core_type = #tpu.core_type<sc_vector_subcore>, window_params = [{transform_indices = #map}, {transform_indices = #map1}, {transform_indices = #map}]} {
    %mul3A = arith.constant 2 : i32
    %mul3A_0 = arith.muli %arg1, %mul3A : i32
    %add3A = arith.addi %mul3A_0, %arg0 : i32
    %mul3A_1 = arith.constant 128 : i32
    %mul3A_2 = arith.muli %add3A, %mul3A_1 : i32
    %eq3A = arith.constant 0 : i32
    %eq3A_3 = arith.cmpi eq, %arg1, %eq3A : i32
    %convert_element_type3A = arith.extui %eq3A_3 : i1 to i32
    %cond3A = arith.constant 0 : i32
    %cond3A_4 = arith.cmpi ne, %convert_element_type3A, %cond3A : i32
    scf.if %cond3A_4 {
      "tpu.region"() ({
        %run_scoped3A = tpu.sem_alloc : memref<!tpu.dma_semaphore, #tpu.memory_space<semaphore_mem>>
        tpu.enqueue_dma source(%arg3 : memref<100000xf32, #tpu.memory_space<hbm>>) target(%arg7 : memref<100000xf32, #tpu.memory_space<vmem_shared>>) target_semaphore(%run_scoped3A : memref<!tpu.dma_semaphore, #tpu.memory_space<semaphore_mem>>)
        tpu.wait_dma2 semaphore(%run_scoped3A : memref<!tpu.dma_semaphore, #tpu.memory_space<semaphore_mem>>) src(%arg3 : memref<100000xf32, #tpu.memory_space<hbm>>) dst(%arg7 : memref<100000xf32, #tpu.memory_space<vmem_shared>>)
        tpu.yield
      }) : () -> ()
    } else {
    }
    "tpu.region"() ({
      %run_scoped3A = tpu.sem_alloc : memref<!tpu.dma_semaphore, #tpu.memory_space<semaphore_mem>>
      %dma_start3A_1007 = arith.constant 0 : i32
      %dma_start3A_1008 = tpu.memref_slice %arg2[%dma_start3A_1007, %mul3A_2] : memref<50x4096xi32, #tpu.memory_space<hbm>> -> memref<50x128xi32, #tpu.memory_space<hbm>>
      %dma_start3A_1009 = arith.constant 0 : i32
      %dma_start3A_1010 = tpu.memref_slice %arg2[%dma_start3A_1009, %mul3A_2] : memref<50x4096xi32, #tpu.memory_space<hbm>> -> memref<50x128xi32, #tpu.memory_space<hbm>>
      tpu.enqueue_dma source(%dma_start3A_1010 : memref<50x128xi32, #tpu.memory_space<hbm>>) target(%arg5 : memref<50x128xi32, #tpu.memory_space<vmem>>) target_semaphore(%run_scoped3A : memref<!tpu.dma_semaphore, #tpu.memory_space<semaphore_mem>>)
      %dma_wait3A_1011 = arith.constant 0 : i32
      %dma_wait3A_1012 = tpu.memref_slice %arg2[%dma_wait3A_1011, %mul3A_2] : memref<50x4096xi32, #tpu.memory_space<hbm>> -> memref<50x128xi32, #tpu.memory_space<hbm>>
      %dma_wait3A_1013 = arith.constant 0 : i32
      %dma_wait3A_1014 = tpu.memref_slice %arg2[%dma_wait3A_1013, %mul3A_2] : memref<50x4096xi32, #tpu.memory_space<hbm>> -> memref<50x128xi32, #tpu.memory_space<hbm>>
      tpu.wait_dma2 semaphore(%run_scoped3A : memref<!tpu.dma_semaphore, #tpu.memory_space<semaphore_mem>>) src(%dma_wait3A_1014 : memref<50x128xi32, #tpu.memory_space<hbm>>) dst(%arg5 : memref<50x128xi32, #tpu.memory_space<vmem>>)
      tpu.yield
    }) : () -> ()
    %barrier3A = arith.constant 0 : index
    tpu.barrier barrier_id(%barrier3A)
    %scan3A = arith.constant 0 : i32
    %scan3A_5 = arith.constant 0 : i32
    %mul3A_6 = arith.constant 50 : i32
    %mul3A_7 = arith.muli %scan3A_5, %mul3A_6 : i32
    %add3A_8 = arith.constant 0 : i32
    %add3A_9 = arith.addi %mul3A_7, %add3A_8 : i32
    %add3A_10 = arith.constant 0 : i32
    %add3A_11 = arith.addi %mul3A_7, %add3A_10 : i32
    %dma_start3A = arith.constant 0 : i32
    %dma_start3A_12 = tpu.memref_slice %arg6[%add3A_11, %dma_start3A] : memref<50x128xf32, #tpu.memory_space<vmem>> -> memref<1x128xf32, #tpu.memory_space<vmem>>
    %dma_start3A_13 = tpu.memref_squeeze %dma_start3A_12 : memref<1x128xf32, #tpu.memory_space<vmem>> -> memref<128xf32, #tpu.memory_space<vmem>>
    %dma_start3A_14 = arith.constant 0 : i32
    %dma_start3A_15 = tpu.memref_slice %arg5[%add3A_9, %dma_start3A_14] : memref<50x128xi32, #tpu.memory_space<vmem>> -> memref<1x128xi32, #tpu.memory_space<vmem>>
    %dma_start3A_16 = tpu.memref_squeeze %dma_start3A_15 : memref<1x128xi32, #tpu.memory_space<vmem>> -> memref<128xi32, #tpu.memory_space<vmem>>
    %dma_start3A_17 = arith.constant 0 : i32
    %dma_start3A_18 = tpu.memref_slice %arg7[%dma_start3A_17] : memref<100000xf32, #tpu.memory_space<vmem_shared>> -> memref<100000xf32, #tpu.memory_space<vmem_shared>>
    tpu.enqueue_indirect_dma source(%dma_start3A_18 : memref<100000xf32, #tpu.memory_space<vmem_shared>>) target(%dma_start3A_13 : memref<128xf32, #tpu.memory_space<vmem>>) offsets(%dma_start3A_16 : memref<128xi32, #tpu.memory_space<vmem>>) semaphore(%arg8 : memref<!tpu.dma_semaphore, #tpu.memory_space<semaphore_mem>>)
    %add3A_19 = arith.constant 1 : i32
    %add3A_20 = arith.addi %mul3A_7, %add3A_19 : i32
    %add3A_21 = arith.constant 1 : i32
    %add3A_22 = arith.addi %mul3A_7, %add3A_21 : i32
    %dma_start3A_23 = arith.constant 0 : i32
    %dma_start3A_24 = tpu.memref_slice %arg6[%add3A_22, %dma_start3A_23] : memref<50x128xf32, #tpu.memory_space<vmem>> -> memref<1x128xf32, #tpu.memory_space<vmem>>
    %dma_start3A_25 = tpu.memref_squeeze %dma_start3A_24 : memref<1x128xf32, #tpu.memory_space<vmem>> -> memref<128xf32, #tpu.memory_space<vmem>>
    %dma_start3A_26 = arith.constant 0 : i32
    %dma_start3A_27 = tpu.memref_slice %arg5[%add3A_20, %dma_start3A_26] : memref<50x128xi32, #tpu.memory_space<vmem>> -> memref<1x128xi32, #tpu.memory_space<vmem>>
    %dma_start3A_28 = tpu.memref_squeeze %dma_start3A_27 : memref<1x128xi32, #tpu.memory_space<vmem>> -> memref<128xi32, #tpu.memory_space<vmem>>
    %dma_start3A_29 = arith.constant 0 : i32
    %dma_start3A_30 = tpu.memref_slice %arg7[%dma_start3A_29] : memref<100000xf32, #tpu.memory_space<vmem_shared>> -> memref<100000xf32, #tpu.memory_space<vmem_shared>>
    tpu.enqueue_indirect_dma source(%dma_start3A_30 : memref<100000xf32, #tpu.memory_space<vmem_shared>>) target(%dma_start3A_25 : memref<128xf32, #tpu.memory_space<vmem>>) offsets(%dma_start3A_28 : memref<128xi32, #tpu.memory_space<vmem>>) semaphore(%arg8 : memref<!tpu.dma_semaphore, #tpu.memory_space<semaphore_mem>>)
    %add3A_31 = arith.constant 2 : i32
    %add3A_32 = arith.addi %mul3A_7, %add3A_31 : i32
    %add3A_33 = arith.constant 2 : i32
    %add3A_34 = arith.addi %mul3A_7, %add3A_33 : i32
    %dma_start3A_35 = arith.constant 0 : i32
    %dma_start3A_36 = tpu.memref_slice %arg6[%add3A_34, %dma_start3A_35] : memref<50x128xf32, #tpu.memory_space<vmem>> -> memref<1x128xf32, #tpu.memory_space<vmem>>
    %dma_start3A_37 = tpu.memref_squeeze %dma_start3A_36 : memref<1x128xf32, #tpu.memory_space<vmem>> -> memref<128xf32, #tpu.memory_space<vmem>>
    %dma_start3A_38 = arith.constant 0 : i32
    %dma_start3A_39 = tpu.memref_slice %arg5[%add3A_32, %dma_start3A_38] : memref<50x128xi32, #tpu.memory_space<vmem>> -> memref<1x128xi32, #tpu.memory_space<vmem>>
    %dma_start3A_40 = tpu.memref_squeeze %dma_start3A_39 : memref<1x128xi32, #tpu.memory_space<vmem>> -> memref<128xi32, #tpu.memory_space<vmem>>
    %dma_start3A_41 = arith.constant 0 : i32
    %dma_start3A_42 = tpu.memref_slice %arg7[%dma_start3A_41] : memref<100000xf32, #tpu.memory_space<vmem_shared>> -> memref<100000xf32, #tpu.memory_space<vmem_shared>>
    tpu.enqueue_indirect_dma source(%dma_start3A_42 : memref<100000xf32, #tpu.memory_space<vmem_shared>>) target(%dma_start3A_37 : memref<128xf32, #tpu.memory_space<vmem>>) offsets(%dma_start3A_40 : memref<128xi32, #tpu.memory_space<vmem>>) semaphore(%arg8 : memref<!tpu.dma_semaphore, #tpu.memory_space<semaphore_mem>>)
    %add3A_43 = arith.constant 3 : i32
    %add3A_44 = arith.addi %mul3A_7, %add3A_43 : i32
    %add3A_45 = arith.constant 3 : i32
    %add3A_46 = arith.addi %mul3A_7, %add3A_45 : i32
    %dma_start3A_47 = arith.constant 0 : i32
    %dma_start3A_48 = tpu.memref_slice %arg6[%add3A_46, %dma_start3A_47] : memref<50x128xf32, #tpu.memory_space<vmem>> -> memref<1x128xf32, #tpu.memory_space<vmem>>
    %dma_start3A_49 = tpu.memref_squeeze %dma_start3A_48 : memref<1x128xf32, #tpu.memory_space<vmem>> -> memref<128xf32, #tpu.memory_space<vmem>>
    %dma_start3A_50 = arith.constant 0 : i32
    %dma_start3A_51 = tpu.memref_slice %arg5[%add3A_44, %dma_start3A_50] : memref<50x128xi32, #tpu.memory_space<vmem>> -> memref<1x128xi32, #tpu.memory_space<vmem>>
    %dma_start3A_52 = tpu.memref_squeeze %dma_start3A_51 : memref<1x128xi32, #tpu.memory_space<vmem>> -> memref<128xi32, #tpu.memory_space<vmem>>
    %dma_start3A_53 = arith.constant 0 : i32
    %dma_start3A_54 = tpu.memref_slice %arg7[%dma_start3A_53] : memref<100000xf32, #tpu.memory_space<vmem_shared>> -> memref<100000xf32, #tpu.memory_space<vmem_shared>>
    tpu.enqueue_indirect_dma source(%dma_start3A_54 : memref<100000xf32, #tpu.memory_space<vmem_shared>>) target(%dma_start3A_49 : memref<128xf32, #tpu.memory_space<vmem>>) offsets(%dma_start3A_52 : memref<128xi32, #tpu.memory_space<vmem>>) semaphore(%arg8 : memref<!tpu.dma_semaphore, #tpu.memory_space<semaphore_mem>>)
    %add3A_55 = arith.constant 4 : i32
    %add3A_56 = arith.addi %mul3A_7, %add3A_55 : i32
    %add3A_57 = arith.constant 4 : i32
    %add3A_58 = arith.addi %mul3A_7, %add3A_57 : i32
    %dma_start3A_59 = arith.constant 0 : i32
    %dma_start3A_60 = tpu.memref_slice %arg6[%add3A_58, %dma_start3A_59] : memref<50x128xf32, #tpu.memory_space<vmem>> -> memref<1x128xf32, #tpu.memory_space<vmem>>
    %dma_start3A_61 = tpu.memref_squeeze %dma_start3A_60 : memref<1x128xf32, #tpu.memory_space<vmem>> -> memref<128xf32, #tpu.memory_space<vmem>>
    %dma_start3A_62 = arith.constant 0 : i32
    %dma_start3A_63 = tpu.memref_slice %arg5[%add3A_56, %dma_start3A_62] : memref<50x128xi32, #tpu.memory_space<vmem>> -> memref<1x128xi32, #tpu.memory_space<vmem>>
    %dma_start3A_64 = tpu.memref_squeeze %dma_start3A_63 : memref<1x128xi32, #tpu.memory_space<vmem>> -> memref<128xi32, #tpu.memory_space<vmem>>
    %dma_start3A_65 = arith.constant 0 : i32
    %dma_start3A_66 = tpu.memref_slice %arg7[%dma_start3A_65] : memref<100000xf32, #tpu.memory_space<vmem_shared>> -> memref<100000xf32, #tpu.memory_space<vmem_shared>>
    tpu.enqueue_indirect_dma source(%dma_start3A_66 : memref<100000xf32, #tpu.memory_space<vmem_shared>>) target(%dma_start3A_61 : memref<128xf32, #tpu.memory_space<vmem>>) offsets(%dma_start3A_64 : memref<128xi32, #tpu.memory_space<vmem>>) semaphore(%arg8 : memref<!tpu.dma_semaphore, #tpu.memory_space<semaphore_mem>>)
    %add3A_67 = arith.constant 5 : i32
    %add3A_68 = arith.addi %mul3A_7, %add3A_67 : i32
    %add3A_69 = arith.constant 5 : i32
    %add3A_70 = arith.addi %mul3A_7, %add3A_69 : i32
    %dma_start3A_71 = arith.constant 0 : i32
    %dma_start3A_72 = tpu.memref_slice %arg6[%add3A_70, %dma_start3A_71] : memref<50x128xf32, #tpu.memory_space<vmem>> -> memref<1x128xf32, #tpu.memory_space<vmem>>
    %dma_start3A_73 = tpu.memref_squeeze %dma_start3A_72 : memref<1x128xf32, #tpu.memory_space<vmem>> -> memref<128xf32, #tpu.memory_space<vmem>>
    %dma_start3A_74 = arith.constant 0 : i32
    %dma_start3A_75 = tpu.memref_slice %arg5[%add3A_68, %dma_start3A_74] : memref<50x128xi32, #tpu.memory_space<vmem>> -> memref<1x128xi32, #tpu.memory_space<vmem>>
    %dma_start3A_76 = tpu.memref_squeeze %dma_start3A_75 : memref<1x128xi32, #tpu.memory_space<vmem>> -> memref<128xi32, #tpu.memory_space<vmem>>
    %dma_start3A_77 = arith.constant 0 : i32
    %dma_start3A_78 = tpu.memref_slice %arg7[%dma_start3A_77] : memref<100000xf32, #tpu.memory_space<vmem_shared>> -> memref<100000xf32, #tpu.memory_space<vmem_shared>>
    tpu.enqueue_indirect_dma source(%dma_start3A_78 : memref<100000xf32, #tpu.memory_space<vmem_shared>>) target(%dma_start3A_73 : memref<128xf32, #tpu.memory_space<vmem>>) offsets(%dma_start3A_76 : memref<128xi32, #tpu.memory_space<vmem>>) semaphore(%arg8 : memref<!tpu.dma_semaphore, #tpu.memory_space<semaphore_mem>>)
    %add3A_79 = arith.constant 6 : i32
    %add3A_80 = arith.addi %mul3A_7, %add3A_79 : i32
    %add3A_81 = arith.constant 6 : i32
    %add3A_82 = arith.addi %mul3A_7, %add3A_81 : i32
    %dma_start3A_83 = arith.constant 0 : i32
    %dma_start3A_84 = tpu.memref_slice %arg6[%add3A_82, %dma_start3A_83] : memref<50x128xf32, #tpu.memory_space<vmem>> -> memref<1x128xf32, #tpu.memory_space<vmem>>
    %dma_start3A_85 = tpu.memref_squeeze %dma_start3A_84 : memref<1x128xf32, #tpu.memory_space<vmem>> -> memref<128xf32, #tpu.memory_space<vmem>>
    %dma_start3A_86 = arith.constant 0 : i32
    %dma_start3A_87 = tpu.memref_slice %arg5[%add3A_80, %dma_start3A_86] : memref<50x128xi32, #tpu.memory_space<vmem>> -> memref<1x128xi32, #tpu.memory_space<vmem>>
    %dma_start3A_88 = tpu.memref_squeeze %dma_start3A_87 : memref<1x128xi32, #tpu.memory_space<vmem>> -> memref<128xi32, #tpu.memory_space<vmem>>
    %dma_start3A_89 = arith.constant 0 : i32
    %dma_start3A_90 = tpu.memref_slice %arg7[%dma_start3A_89] : memref<100000xf32, #tpu.memory_space<vmem_shared>> -> memref<100000xf32, #tpu.memory_space<vmem_shared>>
    tpu.enqueue_indirect_dma source(%dma_start3A_90 : memref<100000xf32, #tpu.memory_space<vmem_shared>>) target(%dma_start3A_85 : memref<128xf32, #tpu.memory_space<vmem>>) offsets(%dma_start3A_88 : memref<128xi32, #tpu.memory_space<vmem>>) semaphore(%arg8 : memref<!tpu.dma_semaphore, #tpu.memory_space<semaphore_mem>>)
    %add3A_91 = arith.constant 7 : i32
    %add3A_92 = arith.addi %mul3A_7, %add3A_91 : i32
    %add3A_93 = arith.constant 7 : i32
    %add3A_94 = arith.addi %mul3A_7, %add3A_93 : i32
    %dma_start3A_95 = arith.constant 0 : i32
    %dma_start3A_96 = tpu.memref_slice %arg6[%add3A_94, %dma_start3A_95] : memref<50x128xf32, #tpu.memory_space<vmem>> -> memref<1x128xf32, #tpu.memory_space<vmem>>
    %dma_start3A_97 = tpu.memref_squeeze %dma_start3A_96 : memref<1x128xf32, #tpu.memory_space<vmem>> -> memref<128xf32, #tpu.memory_space<vmem>>
    %dma_start3A_98 = arith.constant 0 : i32
    %dma_start3A_99 = tpu.memref_slice %arg5[%add3A_92, %dma_start3A_98] : memref<50x128xi32, #tpu.memory_space<vmem>> -> memref<1x128xi32, #tpu.memory_space<vmem>>
    %dma_start3A_100 = tpu.memref_squeeze %dma_start3A_99 : memref<1x128xi32, #tpu.memory_space<vmem>> -> memref<128xi32, #tpu.memory_space<vmem>>
    %dma_start3A_101 = arith.constant 0 : i32
    %dma_start3A_102 = tpu.memref_slice %arg7[%dma_start3A_101] : memref<100000xf32, #tpu.memory_space<vmem_shared>> -> memref<100000xf32, #tpu.memory_space<vmem_shared>>
    tpu.enqueue_indirect_dma source(%dma_start3A_102 : memref<100000xf32, #tpu.memory_space<vmem_shared>>) target(%dma_start3A_97 : memref<128xf32, #tpu.memory_space<vmem>>) offsets(%dma_start3A_100 : memref<128xi32, #tpu.memory_space<vmem>>) semaphore(%arg8 : memref<!tpu.dma_semaphore, #tpu.memory_space<semaphore_mem>>)
    %add3A_103 = arith.constant 8 : i32
    %add3A_104 = arith.addi %mul3A_7, %add3A_103 : i32
    %add3A_105 = arith.constant 8 : i32
    %add3A_106 = arith.addi %mul3A_7, %add3A_105 : i32
    %dma_start3A_107 = arith.constant 0 : i32
    %dma_start3A_108 = tpu.memref_slice %arg6[%add3A_106, %dma_start3A_107] : memref<50x128xf32, #tpu.memory_space<vmem>> -> memref<1x128xf32, #tpu.memory_space<vmem>>
    %dma_start3A_109 = tpu.memref_squeeze %dma_start3A_108 : memref<1x128xf32, #tpu.memory_space<vmem>> -> memref<128xf32, #tpu.memory_space<vmem>>
    %dma_start3A_110 = arith.constant 0 : i32
    %dma_start3A_111 = tpu.memref_slice %arg5[%add3A_104, %dma_start3A_110] : memref<50x128xi32, #tpu.memory_space<vmem>> -> memref<1x128xi32, #tpu.memory_space<vmem>>
    %dma_start3A_112 = tpu.memref_squeeze %dma_start3A_111 : memref<1x128xi32, #tpu.memory_space<vmem>> -> memref<128xi32, #tpu.memory_space<vmem>>
    %dma_start3A_113 = arith.constant 0 : i32
    %dma_start3A_114 = tpu.memref_slice %arg7[%dma_start3A_113] : memref<100000xf32, #tpu.memory_space<vmem_shared>> -> memref<100000xf32, #tpu.memory_space<vmem_shared>>
    tpu.enqueue_indirect_dma source(%dma_start3A_114 : memref<100000xf32, #tpu.memory_space<vmem_shared>>) target(%dma_start3A_109 : memref<128xf32, #tpu.memory_space<vmem>>) offsets(%dma_start3A_112 : memref<128xi32, #tpu.memory_space<vmem>>) semaphore(%arg8 : memref<!tpu.dma_semaphore, #tpu.memory_space<semaphore_mem>>)
    %add3A_115 = arith.constant 9 : i32
    %add3A_116 = arith.addi %mul3A_7, %add3A_115 : i32
    %add3A_117 = arith.constant 9 : i32
    %add3A_118 = arith.addi %mul3A_7, %add3A_117 : i32
    %dma_start3A_119 = arith.constant 0 : i32
    %dma_start3A_120 = tpu.memref_slice %arg6[%add3A_118, %dma_start3A_119] : memref<50x128xf32, #tpu.memory_space<vmem>> -> memref<1x128xf32, #tpu.memory_space<vmem>>
    %dma_start3A_121 = tpu.memref_squeeze %dma_start3A_120 : memref<1x128xf32, #tpu.memory_space<vmem>> -> memref<128xf32, #tpu.memory_space<vmem>>
    %dma_start3A_122 = arith.constant 0 : i32
    %dma_start3A_123 = tpu.memref_slice %arg5[%add3A_116, %dma_start3A_122] : memref<50x128xi32, #tpu.memory_space<vmem>> -> memref<1x128xi32, #tpu.memory_space<vmem>>
    %dma_start3A_124 = tpu.memref_squeeze %dma_start3A_123 : memref<1x128xi32, #tpu.memory_space<vmem>> -> memref<128xi32, #tpu.memory_space<vmem>>
    %dma_start3A_125 = arith.constant 0 : i32
    %dma_start3A_126 = tpu.memref_slice %arg7[%dma_start3A_125] : memref<100000xf32, #tpu.memory_space<vmem_shared>> -> memref<100000xf32, #tpu.memory_space<vmem_shared>>
    tpu.enqueue_indirect_dma source(%dma_start3A_126 : memref<100000xf32, #tpu.memory_space<vmem_shared>>) target(%dma_start3A_121 : memref<128xf32, #tpu.memory_space<vmem>>) offsets(%dma_start3A_124 : memref<128xi32, #tpu.memory_space<vmem>>) semaphore(%arg8 : memref<!tpu.dma_semaphore, #tpu.memory_space<semaphore_mem>>)
    %add3A_127 = arith.constant 10 : i32
    %add3A_128 = arith.addi %mul3A_7, %add3A_127 : i32
    %add3A_129 = arith.constant 10 : i32
    %add3A_130 = arith.addi %mul3A_7, %add3A_129 : i32
    %dma_start3A_131 = arith.constant 0 : i32
    %dma_start3A_132 = tpu.memref_slice %arg6[%add3A_130, %dma_start3A_131] : memref<50x128xf32, #tpu.memory_space<vmem>> -> memref<1x128xf32, #tpu.memory_space<vmem>>
    %dma_start3A_133 = tpu.memref_squeeze %dma_start3A_132 : memref<1x128xf32, #tpu.memory_space<vmem>> -> memref<128xf32, #tpu.memory_space<vmem>>
    %dma_start3A_134 = arith.constant 0 : i32
    %dma_start3A_135 = tpu.memref_slice %arg5[%add3A_128, %dma_start3A_134] : memref<50x128xi32, #tpu.memory_space<vmem>> -> memref<1x128xi32, #tpu.memory_space<vmem>>
    %dma_start3A_136 = tpu.memref_squeeze %dma_start3A_135 : memref<1x128xi32, #tpu.memory_space<vmem>> -> memref<128xi32, #tpu.memory_space<vmem>>
    %dma_start3A_137 = arith.constant 0 : i32
    %dma_start3A_138 = tpu.memref_slice %arg7[%dma_start3A_137] : memref<100000xf32, #tpu.memory_space<vmem_shared>> -> memref<100000xf32, #tpu.memory_space<vmem_shared>>
    tpu.enqueue_indirect_dma source(%dma_start3A_138 : memref<100000xf32, #tpu.memory_space<vmem_shared>>) target(%dma_start3A_133 : memref<128xf32, #tpu.memory_space<vmem>>) offsets(%dma_start3A_136 : memref<128xi32, #tpu.memory_space<vmem>>) semaphore(%arg8 : memref<!tpu.dma_semaphore, #tpu.memory_space<semaphore_mem>>)
    %add3A_139 = arith.constant 11 : i32
    %add3A_140 = arith.addi %mul3A_7, %add3A_139 : i32
    %add3A_141 = arith.constant 11 : i32
    %add3A_142 = arith.addi %mul3A_7, %add3A_141 : i32
    %dma_start3A_143 = arith.constant 0 : i32
    %dma_start3A_144 = tpu.memref_slice %arg6[%add3A_142, %dma_start3A_143] : memref<50x128xf32, #tpu.memory_space<vmem>> -> memref<1x128xf32, #tpu.memory_space<vmem>>
    %dma_start3A_145 = tpu.memref_squeeze %dma_start3A_144 : memref<1x128xf32, #tpu.memory_space<vmem>> -> memref<128xf32, #tpu.memory_space<vmem>>
    %dma_start3A_146 = arith.constant 0 : i32
    %dma_start3A_147 = tpu.memref_slice %arg5[%add3A_140, %dma_start3A_146] : memref<50x128xi32, #tpu.memory_space<vmem>> -> memref<1x128xi32, #tpu.memory_space<vmem>>
    %dma_start3A_148 = tpu.memref_squeeze %dma_start3A_147 : memref<1x128xi32, #tpu.memory_space<vmem>> -> memref<128xi32, #tpu.memory_space<vmem>>
    %dma_start3A_149 = arith.constant 0 : i32
    %dma_start3A_150 = tpu.memref_slice %arg7[%dma_start3A_149] : memref<100000xf32, #tpu.memory_space<vmem_shared>> -> memref<100000xf32, #tpu.memory_space<vmem_shared>>
    tpu.enqueue_indirect_dma source(%dma_start3A_150 : memref<100000xf32, #tpu.memory_space<vmem_shared>>) target(%dma_start3A_145 : memref<128xf32, #tpu.memory_space<vmem>>) offsets(%dma_start3A_148 : memref<128xi32, #tpu.memory_space<vmem>>) semaphore(%arg8 : memref<!tpu.dma_semaphore, #tpu.memory_space<semaphore_mem>>)
    %add3A_151 = arith.constant 12 : i32
    %add3A_152 = arith.addi %mul3A_7, %add3A_151 : i32
    %add3A_153 = arith.constant 12 : i32
    %add3A_154 = arith.addi %mul3A_7, %add3A_153 : i32
    %dma_start3A_155 = arith.constant 0 : i32
    %dma_start3A_156 = tpu.memref_slice %arg6[%add3A_154, %dma_start3A_155] : memref<50x128xf32, #tpu.memory_space<vmem>> -> memref<1x128xf32, #tpu.memory_space<vmem>>
    %dma_start3A_157 = tpu.memref_squeeze %dma_start3A_156 : memref<1x128xf32, #tpu.memory_space<vmem>> -> memref<128xf32, #tpu.memory_space<vmem>>
    %dma_start3A_158 = arith.constant 0 : i32
    %dma_start3A_159 = tpu.memref_slice %arg5[%add3A_152, %dma_start3A_158] : memref<50x128xi32, #tpu.memory_space<vmem>> -> memref<1x128xi32, #tpu.memory_space<vmem>>
    %dma_start3A_160 = tpu.memref_squeeze %dma_start3A_159 : memref<1x128xi32, #tpu.memory_space<vmem>> -> memref<128xi32, #tpu.memory_space<vmem>>
    %dma_start3A_161 = arith.constant 0 : i32
    %dma_start3A_162 = tpu.memref_slice %arg7[%dma_start3A_161] : memref<100000xf32, #tpu.memory_space<vmem_shared>> -> memref<100000xf32, #tpu.memory_space<vmem_shared>>
    tpu.enqueue_indirect_dma source(%dma_start3A_162 : memref<100000xf32, #tpu.memory_space<vmem_shared>>) target(%dma_start3A_157 : memref<128xf32, #tpu.memory_space<vmem>>) offsets(%dma_start3A_160 : memref<128xi32, #tpu.memory_space<vmem>>) semaphore(%arg8 : memref<!tpu.dma_semaphore, #tpu.memory_space<semaphore_mem>>)
    %add3A_163 = arith.constant 13 : i32
    %add3A_164 = arith.addi %mul3A_7, %add3A_163 : i32
    %add3A_165 = arith.constant 13 : i32
    %add3A_166 = arith.addi %mul3A_7, %add3A_165 : i32
    %dma_start3A_167 = arith.constant 0 : i32
    %dma_start3A_168 = tpu.memref_slice %arg6[%add3A_166, %dma_start3A_167] : memref<50x128xf32, #tpu.memory_space<vmem>> -> memref<1x128xf32, #tpu.memory_space<vmem>>
    %dma_start3A_169 = tpu.memref_squeeze %dma_start3A_168 : memref<1x128xf32, #tpu.memory_space<vmem>> -> memref<128xf32, #tpu.memory_space<vmem>>
    %dma_start3A_170 = arith.constant 0 : i32
    %dma_start3A_171 = tpu.memref_slice %arg5[%add3A_164, %dma_start3A_170] : memref<50x128xi32, #tpu.memory_space<vmem>> -> memref<1x128xi32, #tpu.memory_space<vmem>>
    %dma_start3A_172 = tpu.memref_squeeze %dma_start3A_171 : memref<1x128xi32, #tpu.memory_space<vmem>> -> memref<128xi32, #tpu.memory_space<vmem>>
    %dma_start3A_173 = arith.constant 0 : i32
    %dma_start3A_174 = tpu.memref_slice %arg7[%dma_start3A_173] : memref<100000xf32, #tpu.memory_space<vmem_shared>> -> memref<100000xf32, #tpu.memory_space<vmem_shared>>
    tpu.enqueue_indirect_dma source(%dma_start3A_174 : memref<100000xf32, #tpu.memory_space<vmem_shared>>) target(%dma_start3A_169 : memref<128xf32, #tpu.memory_space<vmem>>) offsets(%dma_start3A_172 : memref<128xi32, #tpu.memory_space<vmem>>) semaphore(%arg8 : memref<!tpu.dma_semaphore, #tpu.memory_space<semaphore_mem>>)
    %add3A_175 = arith.constant 14 : i32
    %add3A_176 = arith.addi %mul3A_7, %add3A_175 : i32
    %add3A_177 = arith.constant 14 : i32
    %add3A_178 = arith.addi %mul3A_7, %add3A_177 : i32
    %dma_start3A_179 = arith.constant 0 : i32
    %dma_start3A_180 = tpu.memref_slice %arg6[%add3A_178, %dma_start3A_179] : memref<50x128xf32, #tpu.memory_space<vmem>> -> memref<1x128xf32, #tpu.memory_space<vmem>>
    %dma_start3A_181 = tpu.memref_squeeze %dma_start3A_180 : memref<1x128xf32, #tpu.memory_space<vmem>> -> memref<128xf32, #tpu.memory_space<vmem>>
    %dma_start3A_182 = arith.constant 0 : i32
    %dma_start3A_183 = tpu.memref_slice %arg5[%add3A_176, %dma_start3A_182] : memref<50x128xi32, #tpu.memory_space<vmem>> -> memref<1x128xi32, #tpu.memory_space<vmem>>
    %dma_start3A_184 = tpu.memref_squeeze %dma_start3A_183 : memref<1x128xi32, #tpu.memory_space<vmem>> -> memref<128xi32, #tpu.memory_space<vmem>>
    %dma_start3A_185 = arith.constant 0 : i32
    %dma_start3A_186 = tpu.memref_slice %arg7[%dma_start3A_185] : memref<100000xf32, #tpu.memory_space<vmem_shared>> -> memref<100000xf32, #tpu.memory_space<vmem_shared>>
    tpu.enqueue_indirect_dma source(%dma_start3A_186 : memref<100000xf32, #tpu.memory_space<vmem_shared>>) target(%dma_start3A_181 : memref<128xf32, #tpu.memory_space<vmem>>) offsets(%dma_start3A_184 : memref<128xi32, #tpu.memory_space<vmem>>) semaphore(%arg8 : memref<!tpu.dma_semaphore, #tpu.memory_space<semaphore_mem>>)
    %add3A_187 = arith.constant 15 : i32
    %add3A_188 = arith.addi %mul3A_7, %add3A_187 : i32
    %add3A_189 = arith.constant 15 : i32
    %add3A_190 = arith.addi %mul3A_7, %add3A_189 : i32
    %dma_start3A_191 = arith.constant 0 : i32
    %dma_start3A_192 = tpu.memref_slice %arg6[%add3A_190, %dma_start3A_191] : memref<50x128xf32, #tpu.memory_space<vmem>> -> memref<1x128xf32, #tpu.memory_space<vmem>>
    %dma_start3A_193 = tpu.memref_squeeze %dma_start3A_192 : memref<1x128xf32, #tpu.memory_space<vmem>> -> memref<128xf32, #tpu.memory_space<vmem>>
    %dma_start3A_194 = arith.constant 0 : i32
    %dma_start3A_195 = tpu.memref_slice %arg5[%add3A_188, %dma_start3A_194] : memref<50x128xi32, #tpu.memory_space<vmem>> -> memref<1x128xi32, #tpu.memory_space<vmem>>
    %dma_start3A_196 = tpu.memref_squeeze %dma_start3A_195 : memref<1x128xi32, #tpu.memory_space<vmem>> -> memref<128xi32, #tpu.memory_space<vmem>>
    %dma_start3A_197 = arith.constant 0 : i32
    %dma_start3A_198 = tpu.memref_slice %arg7[%dma_start3A_197] : memref<100000xf32, #tpu.memory_space<vmem_shared>> -> memref<100000xf32, #tpu.memory_space<vmem_shared>>
    tpu.enqueue_indirect_dma source(%dma_start3A_198 : memref<100000xf32, #tpu.memory_space<vmem_shared>>) target(%dma_start3A_193 : memref<128xf32, #tpu.memory_space<vmem>>) offsets(%dma_start3A_196 : memref<128xi32, #tpu.memory_space<vmem>>) semaphore(%arg8 : memref<!tpu.dma_semaphore, #tpu.memory_space<semaphore_mem>>)
    %add3A_199 = arith.constant 16 : i32
    %add3A_200 = arith.addi %mul3A_7, %add3A_199 : i32
    %add3A_201 = arith.constant 16 : i32
    %add3A_202 = arith.addi %mul3A_7, %add3A_201 : i32
    %dma_start3A_203 = arith.constant 0 : i32
    %dma_start3A_204 = tpu.memref_slice %arg6[%add3A_202, %dma_start3A_203] : memref<50x128xf32, #tpu.memory_space<vmem>> -> memref<1x128xf32, #tpu.memory_space<vmem>>
    %dma_start3A_205 = tpu.memref_squeeze %dma_start3A_204 : memref<1x128xf32, #tpu.memory_space<vmem>> -> memref<128xf32, #tpu.memory_space<vmem>>
    %dma_start3A_206 = arith.constant 0 : i32
    %dma_start3A_207 = tpu.memref_slice %arg5[%add3A_200, %dma_start3A_206] : memref<50x128xi32, #tpu.memory_space<vmem>> -> memref<1x128xi32, #tpu.memory_space<vmem>>
    %dma_start3A_208 = tpu.memref_squeeze %dma_start3A_207 : memref<1x128xi32, #tpu.memory_space<vmem>> -> memref<128xi32, #tpu.memory_space<vmem>>
    %dma_start3A_209 = arith.constant 0 : i32
    %dma_start3A_210 = tpu.memref_slice %arg7[%dma_start3A_209] : memref<100000xf32, #tpu.memory_space<vmem_shared>> -> memref<100000xf32, #tpu.memory_space<vmem_shared>>
    tpu.enqueue_indirect_dma source(%dma_start3A_210 : memref<100000xf32, #tpu.memory_space<vmem_shared>>) target(%dma_start3A_205 : memref<128xf32, #tpu.memory_space<vmem>>) offsets(%dma_start3A_208 : memref<128xi32, #tpu.memory_space<vmem>>) semaphore(%arg8 : memref<!tpu.dma_semaphore, #tpu.memory_space<semaphore_mem>>)
    %add3A_211 = arith.constant 17 : i32
    %add3A_212 = arith.addi %mul3A_7, %add3A_211 : i32
    %add3A_213 = arith.constant 17 : i32
    %add3A_214 = arith.addi %mul3A_7, %add3A_213 : i32
    %dma_start3A_215 = arith.constant 0 : i32
    %dma_start3A_216 = tpu.memref_slice %arg6[%add3A_214, %dma_start3A_215] : memref<50x128xf32, #tpu.memory_space<vmem>> -> memref<1x128xf32, #tpu.memory_space<vmem>>
    %dma_start3A_217 = tpu.memref_squeeze %dma_start3A_216 : memref<1x128xf32, #tpu.memory_space<vmem>> -> memref<128xf32, #tpu.memory_space<vmem>>
    %dma_start3A_218 = arith.constant 0 : i32
    %dma_start3A_219 = tpu.memref_slice %arg5[%add3A_212, %dma_start3A_218] : memref<50x128xi32, #tpu.memory_space<vmem>> -> memref<1x128xi32, #tpu.memory_space<vmem>>
    %dma_start3A_220 = tpu.memref_squeeze %dma_start3A_219 : memref<1x128xi32, #tpu.memory_space<vmem>> -> memref<128xi32, #tpu.memory_space<vmem>>
    %dma_start3A_221 = arith.constant 0 : i32
    %dma_start3A_222 = tpu.memref_slice %arg7[%dma_start3A_221] : memref<100000xf32, #tpu.memory_space<vmem_shared>> -> memref<100000xf32, #tpu.memory_space<vmem_shared>>
    tpu.enqueue_indirect_dma source(%dma_start3A_222 : memref<100000xf32, #tpu.memory_space<vmem_shared>>) target(%dma_start3A_217 : memref<128xf32, #tpu.memory_space<vmem>>) offsets(%dma_start3A_220 : memref<128xi32, #tpu.memory_space<vmem>>) semaphore(%arg8 : memref<!tpu.dma_semaphore, #tpu.memory_space<semaphore_mem>>)
    %add3A_223 = arith.constant 18 : i32
    %add3A_224 = arith.addi %mul3A_7, %add3A_223 : i32
    %add3A_225 = arith.constant 18 : i32
    %add3A_226 = arith.addi %mul3A_7, %add3A_225 : i32
    %dma_start3A_227 = arith.constant 0 : i32
    %dma_start3A_228 = tpu.memref_slice %arg6[%add3A_226, %dma_start3A_227] : memref<50x128xf32, #tpu.memory_space<vmem>> -> memref<1x128xf32, #tpu.memory_space<vmem>>
    %dma_start3A_229 = tpu.memref_squeeze %dma_start3A_228 : memref<1x128xf32, #tpu.memory_space<vmem>> -> memref<128xf32, #tpu.memory_space<vmem>>
    %dma_start3A_230 = arith.constant 0 : i32
    %dma_start3A_231 = tpu.memref_slice %arg5[%add3A_224, %dma_start3A_230] : memref<50x128xi32, #tpu.memory_space<vmem>> -> memref<1x128xi32, #tpu.memory_space<vmem>>
    %dma_start3A_232 = tpu.memref_squeeze %dma_start3A_231 : memref<1x128xi32, #tpu.memory_space<vmem>> -> memref<128xi32, #tpu.memory_space<vmem>>
    %dma_start3A_233 = arith.constant 0 : i32
    %dma_start3A_234 = tpu.memref_slice %arg7[%dma_start3A_233] : memref<100000xf32, #tpu.memory_space<vmem_shared>> -> memref<100000xf32, #tpu.memory_space<vmem_shared>>
    tpu.enqueue_indirect_dma source(%dma_start3A_234 : memref<100000xf32, #tpu.memory_space<vmem_shared>>) target(%dma_start3A_229 : memref<128xf32, #tpu.memory_space<vmem>>) offsets(%dma_start3A_232 : memref<128xi32, #tpu.memory_space<vmem>>) semaphore(%arg8 : memref<!tpu.dma_semaphore, #tpu.memory_space<semaphore_mem>>)
    %add3A_235 = arith.constant 19 : i32
    %add3A_236 = arith.addi %mul3A_7, %add3A_235 : i32
    %add3A_237 = arith.constant 19 : i32
    %add3A_238 = arith.addi %mul3A_7, %add3A_237 : i32
    %dma_start3A_239 = arith.constant 0 : i32
    %dma_start3A_240 = tpu.memref_slice %arg6[%add3A_238, %dma_start3A_239] : memref<50x128xf32, #tpu.memory_space<vmem>> -> memref<1x128xf32, #tpu.memory_space<vmem>>
    %dma_start3A_241 = tpu.memref_squeeze %dma_start3A_240 : memref<1x128xf32, #tpu.memory_space<vmem>> -> memref<128xf32, #tpu.memory_space<vmem>>
    %dma_start3A_242 = arith.constant 0 : i32
    %dma_start3A_243 = tpu.memref_slice %arg5[%add3A_236, %dma_start3A_242] : memref<50x128xi32, #tpu.memory_space<vmem>> -> memref<1x128xi32, #tpu.memory_space<vmem>>
    %dma_start3A_244 = tpu.memref_squeeze %dma_start3A_243 : memref<1x128xi32, #tpu.memory_space<vmem>> -> memref<128xi32, #tpu.memory_space<vmem>>
    %dma_start3A_245 = arith.constant 0 : i32
    %dma_start3A_246 = tpu.memref_slice %arg7[%dma_start3A_245] : memref<100000xf32, #tpu.memory_space<vmem_shared>> -> memref<100000xf32, #tpu.memory_space<vmem_shared>>
    tpu.enqueue_indirect_dma source(%dma_start3A_246 : memref<100000xf32, #tpu.memory_space<vmem_shared>>) target(%dma_start3A_241 : memref<128xf32, #tpu.memory_space<vmem>>) offsets(%dma_start3A_244 : memref<128xi32, #tpu.memory_space<vmem>>) semaphore(%arg8 : memref<!tpu.dma_semaphore, #tpu.memory_space<semaphore_mem>>)
    %add3A_247 = arith.constant 20 : i32
    %add3A_248 = arith.addi %mul3A_7, %add3A_247 : i32
    %add3A_249 = arith.constant 20 : i32
    %add3A_250 = arith.addi %mul3A_7, %add3A_249 : i32
    %dma_start3A_251 = arith.constant 0 : i32
    %dma_start3A_252 = tpu.memref_slice %arg6[%add3A_250, %dma_start3A_251] : memref<50x128xf32, #tpu.memory_space<vmem>> -> memref<1x128xf32, #tpu.memory_space<vmem>>
    %dma_start3A_253 = tpu.memref_squeeze %dma_start3A_252 : memref<1x128xf32, #tpu.memory_space<vmem>> -> memref<128xf32, #tpu.memory_space<vmem>>
    %dma_start3A_254 = arith.constant 0 : i32
    %dma_start3A_255 = tpu.memref_slice %arg5[%add3A_248, %dma_start3A_254] : memref<50x128xi32, #tpu.memory_space<vmem>> -> memref<1x128xi32, #tpu.memory_space<vmem>>
    %dma_start3A_256 = tpu.memref_squeeze %dma_start3A_255 : memref<1x128xi32, #tpu.memory_space<vmem>> -> memref<128xi32, #tpu.memory_space<vmem>>
    %dma_start3A_257 = arith.constant 0 : i32
    %dma_start3A_258 = tpu.memref_slice %arg7[%dma_start3A_257] : memref<100000xf32, #tpu.memory_space<vmem_shared>> -> memref<100000xf32, #tpu.memory_space<vmem_shared>>
    tpu.enqueue_indirect_dma source(%dma_start3A_258 : memref<100000xf32, #tpu.memory_space<vmem_shared>>) target(%dma_start3A_253 : memref<128xf32, #tpu.memory_space<vmem>>) offsets(%dma_start3A_256 : memref<128xi32, #tpu.memory_space<vmem>>) semaphore(%arg8 : memref<!tpu.dma_semaphore, #tpu.memory_space<semaphore_mem>>)
    %add3A_259 = arith.constant 21 : i32
    %add3A_260 = arith.addi %mul3A_7, %add3A_259 : i32
    %add3A_261 = arith.constant 21 : i32
    %add3A_262 = arith.addi %mul3A_7, %add3A_261 : i32
    %dma_start3A_263 = arith.constant 0 : i32
    %dma_start3A_264 = tpu.memref_slice %arg6[%add3A_262, %dma_start3A_263] : memref<50x128xf32, #tpu.memory_space<vmem>> -> memref<1x128xf32, #tpu.memory_space<vmem>>
    %dma_start3A_265 = tpu.memref_squeeze %dma_start3A_264 : memref<1x128xf32, #tpu.memory_space<vmem>> -> memref<128xf32, #tpu.memory_space<vmem>>
    %dma_start3A_266 = arith.constant 0 : i32
    %dma_start3A_267 = tpu.memref_slice %arg5[%add3A_260, %dma_start3A_266] : memref<50x128xi32, #tpu.memory_space<vmem>> -> memref<1x128xi32, #tpu.memory_space<vmem>>
    %dma_start3A_268 = tpu.memref_squeeze %dma_start3A_267 : memref<1x128xi32, #tpu.memory_space<vmem>> -> memref<128xi32, #tpu.memory_space<vmem>>
    %dma_start3A_269 = arith.constant 0 : i32
    %dma_start3A_270 = tpu.memref_slice %arg7[%dma_start3A_269] : memref<100000xf32, #tpu.memory_space<vmem_shared>> -> memref<100000xf32, #tpu.memory_space<vmem_shared>>
    tpu.enqueue_indirect_dma source(%dma_start3A_270 : memref<100000xf32, #tpu.memory_space<vmem_shared>>) target(%dma_start3A_265 : memref<128xf32, #tpu.memory_space<vmem>>) offsets(%dma_start3A_268 : memref<128xi32, #tpu.memory_space<vmem>>) semaphore(%arg8 : memref<!tpu.dma_semaphore, #tpu.memory_space<semaphore_mem>>)
    %add3A_271 = arith.constant 22 : i32
    %add3A_272 = arith.addi %mul3A_7, %add3A_271 : i32
    %add3A_273 = arith.constant 22 : i32
    %add3A_274 = arith.addi %mul3A_7, %add3A_273 : i32
    %dma_start3A_275 = arith.constant 0 : i32
    %dma_start3A_276 = tpu.memref_slice %arg6[%add3A_274, %dma_start3A_275] : memref<50x128xf32, #tpu.memory_space<vmem>> -> memref<1x128xf32, #tpu.memory_space<vmem>>
    %dma_start3A_277 = tpu.memref_squeeze %dma_start3A_276 : memref<1x128xf32, #tpu.memory_space<vmem>> -> memref<128xf32, #tpu.memory_space<vmem>>
    %dma_start3A_278 = arith.constant 0 : i32
    %dma_start3A_279 = tpu.memref_slice %arg5[%add3A_272, %dma_start3A_278] : memref<50x128xi32, #tpu.memory_space<vmem>> -> memref<1x128xi32, #tpu.memory_space<vmem>>
    %dma_start3A_280 = tpu.memref_squeeze %dma_start3A_279 : memref<1x128xi32, #tpu.memory_space<vmem>> -> memref<128xi32, #tpu.memory_space<vmem>>
    %dma_start3A_281 = arith.constant 0 : i32
    %dma_start3A_282 = tpu.memref_slice %arg7[%dma_start3A_281] : memref<100000xf32, #tpu.memory_space<vmem_shared>> -> memref<100000xf32, #tpu.memory_space<vmem_shared>>
    tpu.enqueue_indirect_dma source(%dma_start3A_282 : memref<100000xf32, #tpu.memory_space<vmem_shared>>) target(%dma_start3A_277 : memref<128xf32, #tpu.memory_space<vmem>>) offsets(%dma_start3A_280 : memref<128xi32, #tpu.memory_space<vmem>>) semaphore(%arg8 : memref<!tpu.dma_semaphore, #tpu.memory_space<semaphore_mem>>)
    %add3A_283 = arith.constant 23 : i32
    %add3A_284 = arith.addi %mul3A_7, %add3A_283 : i32
    %add3A_285 = arith.constant 23 : i32
    %add3A_286 = arith.addi %mul3A_7, %add3A_285 : i32
    %dma_start3A_287 = arith.constant 0 : i32
    %dma_start3A_288 = tpu.memref_slice %arg6[%add3A_286, %dma_start3A_287] : memref<50x128xf32, #tpu.memory_space<vmem>> -> memref<1x128xf32, #tpu.memory_space<vmem>>
    %dma_start3A_289 = tpu.memref_squeeze %dma_start3A_288 : memref<1x128xf32, #tpu.memory_space<vmem>> -> memref<128xf32, #tpu.memory_space<vmem>>
    %dma_start3A_290 = arith.constant 0 : i32
    %dma_start3A_291 = tpu.memref_slice %arg5[%add3A_284, %dma_start3A_290] : memref<50x128xi32, #tpu.memory_space<vmem>> -> memref<1x128xi32, #tpu.memory_space<vmem>>
    %dma_start3A_292 = tpu.memref_squeeze %dma_start3A_291 : memref<1x128xi32, #tpu.memory_space<vmem>> -> memref<128xi32, #tpu.memory_space<vmem>>
    %dma_start3A_293 = arith.constant 0 : i32
    %dma_start3A_294 = tpu.memref_slice %arg7[%dma_start3A_293] : memref<100000xf32, #tpu.memory_space<vmem_shared>> -> memref<100000xf32, #tpu.memory_space<vmem_shared>>
    tpu.enqueue_indirect_dma source(%dma_start3A_294 : memref<100000xf32, #tpu.memory_space<vmem_shared>>) target(%dma_start3A_289 : memref<128xf32, #tpu.memory_space<vmem>>) offsets(%dma_start3A_292 : memref<128xi32, #tpu.memory_space<vmem>>) semaphore(%arg8 : memref<!tpu.dma_semaphore, #tpu.memory_space<semaphore_mem>>)
    %add3A_295 = arith.constant 24 : i32
    %add3A_296 = arith.addi %mul3A_7, %add3A_295 : i32
    %add3A_297 = arith.constant 24 : i32
    %add3A_298 = arith.addi %mul3A_7, %add3A_297 : i32
    %dma_start3A_299 = arith.constant 0 : i32
    %dma_start3A_300 = tpu.memref_slice %arg6[%add3A_298, %dma_start3A_299] : memref<50x128xf32, #tpu.memory_space<vmem>> -> memref<1x128xf32, #tpu.memory_space<vmem>>
    %dma_start3A_301 = tpu.memref_squeeze %dma_start3A_300 : memref<1x128xf32, #tpu.memory_space<vmem>> -> memref<128xf32, #tpu.memory_space<vmem>>
    %dma_start3A_302 = arith.constant 0 : i32
    %dma_start3A_303 = tpu.memref_slice %arg5[%add3A_296, %dma_start3A_302] : memref<50x128xi32, #tpu.memory_space<vmem>> -> memref<1x128xi32, #tpu.memory_space<vmem>>
    %dma_start3A_304 = tpu.memref_squeeze %dma_start3A_303 : memref<1x128xi32, #tpu.memory_space<vmem>> -> memref<128xi32, #tpu.memory_space<vmem>>
    %dma_start3A_305 = arith.constant 0 : i32
    %dma_start3A_306 = tpu.memref_slice %arg7[%dma_start3A_305] : memref<100000xf32, #tpu.memory_space<vmem_shared>> -> memref<100000xf32, #tpu.memory_space<vmem_shared>>
    tpu.enqueue_indirect_dma source(%dma_start3A_306 : memref<100000xf32, #tpu.memory_space<vmem_shared>>) target(%dma_start3A_301 : memref<128xf32, #tpu.memory_space<vmem>>) offsets(%dma_start3A_304 : memref<128xi32, #tpu.memory_space<vmem>>) semaphore(%arg8 : memref<!tpu.dma_semaphore, #tpu.memory_space<semaphore_mem>>)
    %add3A_307 = arith.constant 25 : i32
    %add3A_308 = arith.addi %mul3A_7, %add3A_307 : i32
    %add3A_309 = arith.constant 25 : i32
    %add3A_310 = arith.addi %mul3A_7, %add3A_309 : i32
    %dma_start3A_311 = arith.constant 0 : i32
    %dma_start3A_312 = tpu.memref_slice %arg6[%add3A_310, %dma_start3A_311] : memref<50x128xf32, #tpu.memory_space<vmem>> -> memref<1x128xf32, #tpu.memory_space<vmem>>
    %dma_start3A_313 = tpu.memref_squeeze %dma_start3A_312 : memref<1x128xf32, #tpu.memory_space<vmem>> -> memref<128xf32, #tpu.memory_space<vmem>>
    %dma_start3A_314 = arith.constant 0 : i32
    %dma_start3A_315 = tpu.memref_slice %arg5[%add3A_308, %dma_start3A_314] : memref<50x128xi32, #tpu.memory_space<vmem>> -> memref<1x128xi32, #tpu.memory_space<vmem>>
    %dma_start3A_316 = tpu.memref_squeeze %dma_start3A_315 : memref<1x128xi32, #tpu.memory_space<vmem>> -> memref<128xi32, #tpu.memory_space<vmem>>
    %dma_start3A_317 = arith.constant 0 : i32
    %dma_start3A_318 = tpu.memref_slice %arg7[%dma_start3A_317] : memref<100000xf32, #tpu.memory_space<vmem_shared>> -> memref<100000xf32, #tpu.memory_space<vmem_shared>>
    tpu.enqueue_indirect_dma source(%dma_start3A_318 : memref<100000xf32, #tpu.memory_space<vmem_shared>>) target(%dma_start3A_313 : memref<128xf32, #tpu.memory_space<vmem>>) offsets(%dma_start3A_316 : memref<128xi32, #tpu.memory_space<vmem>>) semaphore(%arg8 : memref<!tpu.dma_semaphore, #tpu.memory_space<semaphore_mem>>)
    %add3A_319 = arith.constant 26 : i32
    %add3A_320 = arith.addi %mul3A_7, %add3A_319 : i32
    %add3A_321 = arith.constant 26 : i32
    %add3A_322 = arith.addi %mul3A_7, %add3A_321 : i32
    %dma_start3A_323 = arith.constant 0 : i32
    %dma_start3A_324 = tpu.memref_slice %arg6[%add3A_322, %dma_start3A_323] : memref<50x128xf32, #tpu.memory_space<vmem>> -> memref<1x128xf32, #tpu.memory_space<vmem>>
    %dma_start3A_325 = tpu.memref_squeeze %dma_start3A_324 : memref<1x128xf32, #tpu.memory_space<vmem>> -> memref<128xf32, #tpu.memory_space<vmem>>
    %dma_start3A_326 = arith.constant 0 : i32
    %dma_start3A_327 = tpu.memref_slice %arg5[%add3A_320, %dma_start3A_326] : memref<50x128xi32, #tpu.memory_space<vmem>> -> memref<1x128xi32, #tpu.memory_space<vmem>>
    %dma_start3A_328 = tpu.memref_squeeze %dma_start3A_327 : memref<1x128xi32, #tpu.memory_space<vmem>> -> memref<128xi32, #tpu.memory_space<vmem>>
    %dma_start3A_329 = arith.constant 0 : i32
    %dma_start3A_330 = tpu.memref_slice %arg7[%dma_start3A_329] : memref<100000xf32, #tpu.memory_space<vmem_shared>> -> memref<100000xf32, #tpu.memory_space<vmem_shared>>
    tpu.enqueue_indirect_dma source(%dma_start3A_330 : memref<100000xf32, #tpu.memory_space<vmem_shared>>) target(%dma_start3A_325 : memref<128xf32, #tpu.memory_space<vmem>>) offsets(%dma_start3A_328 : memref<128xi32, #tpu.memory_space<vmem>>) semaphore(%arg8 : memref<!tpu.dma_semaphore, #tpu.memory_space<semaphore_mem>>)
    %add3A_331 = arith.constant 27 : i32
    %add3A_332 = arith.addi %mul3A_7, %add3A_331 : i32
    %add3A_333 = arith.constant 27 : i32
    %add3A_334 = arith.addi %mul3A_7, %add3A_333 : i32
    %dma_start3A_335 = arith.constant 0 : i32
    %dma_start3A_336 = tpu.memref_slice %arg6[%add3A_334, %dma_start3A_335] : memref<50x128xf32, #tpu.memory_space<vmem>> -> memref<1x128xf32, #tpu.memory_space<vmem>>
    %dma_start3A_337 = tpu.memref_squeeze %dma_start3A_336 : memref<1x128xf32, #tpu.memory_space<vmem>> -> memref<128xf32, #tpu.memory_space<vmem>>
    %dma_start3A_338 = arith.constant 0 : i32
    %dma_start3A_339 = tpu.memref_slice %arg5[%add3A_332, %dma_start3A_338] : memref<50x128xi32, #tpu.memory_space<vmem>> -> memref<1x128xi32, #tpu.memory_space<vmem>>
    %dma_start3A_340 = tpu.memref_squeeze %dma_start3A_339 : memref<1x128xi32, #tpu.memory_space<vmem>> -> memref<128xi32, #tpu.memory_space<vmem>>
    %dma_start3A_341 = arith.constant 0 : i32
    %dma_start3A_342 = tpu.memref_slice %arg7[%dma_start3A_341] : memref<100000xf32, #tpu.memory_space<vmem_shared>> -> memref<100000xf32, #tpu.memory_space<vmem_shared>>
    tpu.enqueue_indirect_dma source(%dma_start3A_342 : memref<100000xf32, #tpu.memory_space<vmem_shared>>) target(%dma_start3A_337 : memref<128xf32, #tpu.memory_space<vmem>>) offsets(%dma_start3A_340 : memref<128xi32, #tpu.memory_space<vmem>>) semaphore(%arg8 : memref<!tpu.dma_semaphore, #tpu.memory_space<semaphore_mem>>)
    %add3A_343 = arith.constant 28 : i32
    %add3A_344 = arith.addi %mul3A_7, %add3A_343 : i32
    %add3A_345 = arith.constant 28 : i32
    %add3A_346 = arith.addi %mul3A_7, %add3A_345 : i32
    %dma_start3A_347 = arith.constant 0 : i32
    %dma_start3A_348 = tpu.memref_slice %arg6[%add3A_346, %dma_start3A_347] : memref<50x128xf32, #tpu.memory_space<vmem>> -> memref<1x128xf32, #tpu.memory_space<vmem>>
    %dma_start3A_349 = tpu.memref_squeeze %dma_start3A_348 : memref<1x128xf32, #tpu.memory_space<vmem>> -> memref<128xf32, #tpu.memory_space<vmem>>
    %dma_start3A_350 = arith.constant 0 : i32
    %dma_start3A_351 = tpu.memref_slice %arg5[%add3A_344, %dma_start3A_350] : memref<50x128xi32, #tpu.memory_space<vmem>> -> memref<1x128xi32, #tpu.memory_space<vmem>>
    %dma_start3A_352 = tpu.memref_squeeze %dma_start3A_351 : memref<1x128xi32, #tpu.memory_space<vmem>> -> memref<128xi32, #tpu.memory_space<vmem>>
    %dma_start3A_353 = arith.constant 0 : i32
    %dma_start3A_354 = tpu.memref_slice %arg7[%dma_start3A_353] : memref<100000xf32, #tpu.memory_space<vmem_shared>> -> memref<100000xf32, #tpu.memory_space<vmem_shared>>
    tpu.enqueue_indirect_dma source(%dma_start3A_354 : memref<100000xf32, #tpu.memory_space<vmem_shared>>) target(%dma_start3A_349 : memref<128xf32, #tpu.memory_space<vmem>>) offsets(%dma_start3A_352 : memref<128xi32, #tpu.memory_space<vmem>>) semaphore(%arg8 : memref<!tpu.dma_semaphore, #tpu.memory_space<semaphore_mem>>)
    %add3A_355 = arith.constant 29 : i32
    %add3A_356 = arith.addi %mul3A_7, %add3A_355 : i32
    %add3A_357 = arith.constant 29 : i32
    %add3A_358 = arith.addi %mul3A_7, %add3A_357 : i32
    %dma_start3A_359 = arith.constant 0 : i32
    %dma_start3A_360 = tpu.memref_slice %arg6[%add3A_358, %dma_start3A_359] : memref<50x128xf32, #tpu.memory_space<vmem>> -> memref<1x128xf32, #tpu.memory_space<vmem>>
    %dma_start3A_361 = tpu.memref_squeeze %dma_start3A_360 : memref<1x128xf32, #tpu.memory_space<vmem>> -> memref<128xf32, #tpu.memory_space<vmem>>
    %dma_start3A_362 = arith.constant 0 : i32
    %dma_start3A_363 = tpu.memref_slice %arg5[%add3A_356, %dma_start3A_362] : memref<50x128xi32, #tpu.memory_space<vmem>> -> memref<1x128xi32, #tpu.memory_space<vmem>>
    %dma_start3A_364 = tpu.memref_squeeze %dma_start3A_363 : memref<1x128xi32, #tpu.memory_space<vmem>> -> memref<128xi32, #tpu.memory_space<vmem>>
    %dma_start3A_365 = arith.constant 0 : i32
    %dma_start3A_366 = tpu.memref_slice %arg7[%dma_start3A_365] : memref<100000xf32, #tpu.memory_space<vmem_shared>> -> memref<100000xf32, #tpu.memory_space<vmem_shared>>
    tpu.enqueue_indirect_dma source(%dma_start3A_366 : memref<100000xf32, #tpu.memory_space<vmem_shared>>) target(%dma_start3A_361 : memref<128xf32, #tpu.memory_space<vmem>>) offsets(%dma_start3A_364 : memref<128xi32, #tpu.memory_space<vmem>>) semaphore(%arg8 : memref<!tpu.dma_semaphore, #tpu.memory_space<semaphore_mem>>)
    %add3A_367 = arith.constant 30 : i32
    %add3A_368 = arith.addi %mul3A_7, %add3A_367 : i32
    %add3A_369 = arith.constant 30 : i32
    %add3A_370 = arith.addi %mul3A_7, %add3A_369 : i32
    %dma_start3A_371 = arith.constant 0 : i32
    %dma_start3A_372 = tpu.memref_slice %arg6[%add3A_370, %dma_start3A_371] : memref<50x128xf32, #tpu.memory_space<vmem>> -> memref<1x128xf32, #tpu.memory_space<vmem>>
    %dma_start3A_373 = tpu.memref_squeeze %dma_start3A_372 : memref<1x128xf32, #tpu.memory_space<vmem>> -> memref<128xf32, #tpu.memory_space<vmem>>
    %dma_start3A_374 = arith.constant 0 : i32
    %dma_start3A_375 = tpu.memref_slice %arg5[%add3A_368, %dma_start3A_374] : memref<50x128xi32, #tpu.memory_space<vmem>> -> memref<1x128xi32, #tpu.memory_space<vmem>>
    %dma_start3A_376 = tpu.memref_squeeze %dma_start3A_375 : memref<1x128xi32, #tpu.memory_space<vmem>> -> memref<128xi32, #tpu.memory_space<vmem>>
    %dma_start3A_377 = arith.constant 0 : i32
    %dma_start3A_378 = tpu.memref_slice %arg7[%dma_start3A_377] : memref<100000xf32, #tpu.memory_space<vmem_shared>> -> memref<100000xf32, #tpu.memory_space<vmem_shared>>
    tpu.enqueue_indirect_dma source(%dma_start3A_378 : memref<100000xf32, #tpu.memory_space<vmem_shared>>) target(%dma_start3A_373 : memref<128xf32, #tpu.memory_space<vmem>>) offsets(%dma_start3A_376 : memref<128xi32, #tpu.memory_space<vmem>>) semaphore(%arg8 : memref<!tpu.dma_semaphore, #tpu.memory_space<semaphore_mem>>)
    %add3A_379 = arith.constant 31 : i32
    %add3A_380 = arith.addi %mul3A_7, %add3A_379 : i32
    %add3A_381 = arith.constant 31 : i32
    %add3A_382 = arith.addi %mul3A_7, %add3A_381 : i32
    %dma_start3A_383 = arith.constant 0 : i32
    %dma_start3A_384 = tpu.memref_slice %arg6[%add3A_382, %dma_start3A_383] : memref<50x128xf32, #tpu.memory_space<vmem>> -> memref<1x128xf32, #tpu.memory_space<vmem>>
    %dma_start3A_385 = tpu.memref_squeeze %dma_start3A_384 : memref<1x128xf32, #tpu.memory_space<vmem>> -> memref<128xf32, #tpu.memory_space<vmem>>
    %dma_start3A_386 = arith.constant 0 : i32
    %dma_start3A_387 = tpu.memref_slice %arg5[%add3A_380, %dma_start3A_386] : memref<50x128xi32, #tpu.memory_space<vmem>> -> memref<1x128xi32, #tpu.memory_space<vmem>>
    %dma_start3A_388 = tpu.memref_squeeze %dma_start3A_387 : memref<1x128xi32, #tpu.memory_space<vmem>> -> memref<128xi32, #tpu.memory_space<vmem>>
    %dma_start3A_389 = arith.constant 0 : i32
    %dma_start3A_390 = tpu.memref_slice %arg7[%dma_start3A_389] : memref<100000xf32, #tpu.memory_space<vmem_shared>> -> memref<100000xf32, #tpu.memory_space<vmem_shared>>
    tpu.enqueue_indirect_dma source(%dma_start3A_390 : memref<100000xf32, #tpu.memory_space<vmem_shared>>) target(%dma_start3A_385 : memref<128xf32, #tpu.memory_space<vmem>>) offsets(%dma_start3A_388 : memref<128xi32, #tpu.memory_space<vmem>>) semaphore(%arg8 : memref<!tpu.dma_semaphore, #tpu.memory_space<semaphore_mem>>)
    %add3A_391 = arith.constant 32 : i32
    %add3A_392 = arith.addi %mul3A_7, %add3A_391 : i32
    %add3A_393 = arith.constant 32 : i32
    %add3A_394 = arith.addi %mul3A_7, %add3A_393 : i32
    %dma_start3A_395 = arith.constant 0 : i32
    %dma_start3A_396 = tpu.memref_slice %arg6[%add3A_394, %dma_start3A_395] : memref<50x128xf32, #tpu.memory_space<vmem>> -> memref<1x128xf32, #tpu.memory_space<vmem>>
    %dma_start3A_397 = tpu.memref_squeeze %dma_start3A_396 : memref<1x128xf32, #tpu.memory_space<vmem>> -> memref<128xf32, #tpu.memory_space<vmem>>
    %dma_start3A_398 = arith.constant 0 : i32
    %dma_start3A_399 = tpu.memref_slice %arg5[%add3A_392, %dma_start3A_398] : memref<50x128xi32, #tpu.memory_space<vmem>> -> memref<1x128xi32, #tpu.memory_space<vmem>>
    %dma_start3A_400 = tpu.memref_squeeze %dma_start3A_399 : memref<1x128xi32, #tpu.memory_space<vmem>> -> memref<128xi32, #tpu.memory_space<vmem>>
    %dma_start3A_401 = arith.constant 0 : i32
    %dma_start3A_402 = tpu.memref_slice %arg7[%dma_start3A_401] : memref<100000xf32, #tpu.memory_space<vmem_shared>> -> memref<100000xf32, #tpu.memory_space<vmem_shared>>
    tpu.enqueue_indirect_dma source(%dma_start3A_402 : memref<100000xf32, #tpu.memory_space<vmem_shared>>) target(%dma_start3A_397 : memref<128xf32, #tpu.memory_space<vmem>>) offsets(%dma_start3A_400 : memref<128xi32, #tpu.memory_space<vmem>>) semaphore(%arg8 : memref<!tpu.dma_semaphore, #tpu.memory_space<semaphore_mem>>)
    %add3A_403 = arith.constant 33 : i32
    %add3A_404 = arith.addi %mul3A_7, %add3A_403 : i32
    %add3A_405 = arith.constant 33 : i32
    %add3A_406 = arith.addi %mul3A_7, %add3A_405 : i32
    %dma_start3A_407 = arith.constant 0 : i32
    %dma_start3A_408 = tpu.memref_slice %arg6[%add3A_406, %dma_start3A_407] : memref<50x128xf32, #tpu.memory_space<vmem>> -> memref<1x128xf32, #tpu.memory_space<vmem>>
    %dma_start3A_409 = tpu.memref_squeeze %dma_start3A_408 : memref<1x128xf32, #tpu.memory_space<vmem>> -> memref<128xf32, #tpu.memory_space<vmem>>
    %dma_start3A_410 = arith.constant 0 : i32
    %dma_start3A_411 = tpu.memref_slice %arg5[%add3A_404, %dma_start3A_410] : memref<50x128xi32, #tpu.memory_space<vmem>> -> memref<1x128xi32, #tpu.memory_space<vmem>>
    %dma_start3A_412 = tpu.memref_squeeze %dma_start3A_411 : memref<1x128xi32, #tpu.memory_space<vmem>> -> memref<128xi32, #tpu.memory_space<vmem>>
    %dma_start3A_413 = arith.constant 0 : i32
    %dma_start3A_414 = tpu.memref_slice %arg7[%dma_start3A_413] : memref<100000xf32, #tpu.memory_space<vmem_shared>> -> memref<100000xf32, #tpu.memory_space<vmem_shared>>
    tpu.enqueue_indirect_dma source(%dma_start3A_414 : memref<100000xf32, #tpu.memory_space<vmem_shared>>) target(%dma_start3A_409 : memref<128xf32, #tpu.memory_space<vmem>>) offsets(%dma_start3A_412 : memref<128xi32, #tpu.memory_space<vmem>>) semaphore(%arg8 : memref<!tpu.dma_semaphore, #tpu.memory_space<semaphore_mem>>)
    %add3A_415 = arith.constant 34 : i32
    %add3A_416 = arith.addi %mul3A_7, %add3A_415 : i32
    %add3A_417 = arith.constant 34 : i32
    %add3A_418 = arith.addi %mul3A_7, %add3A_417 : i32
    %dma_start3A_419 = arith.constant 0 : i32
    %dma_start3A_420 = tpu.memref_slice %arg6[%add3A_418, %dma_start3A_419] : memref<50x128xf32, #tpu.memory_space<vmem>> -> memref<1x128xf32, #tpu.memory_space<vmem>>
    %dma_start3A_421 = tpu.memref_squeeze %dma_start3A_420 : memref<1x128xf32, #tpu.memory_space<vmem>> -> memref<128xf32, #tpu.memory_space<vmem>>
    %dma_start3A_422 = arith.constant 0 : i32
    %dma_start3A_423 = tpu.memref_slice %arg5[%add3A_416, %dma_start3A_422] : memref<50x128xi32, #tpu.memory_space<vmem>> -> memref<1x128xi32, #tpu.memory_space<vmem>>
    %dma_start3A_424 = tpu.memref_squeeze %dma_start3A_423 : memref<1x128xi32, #tpu.memory_space<vmem>> -> memref<128xi32, #tpu.memory_space<vmem>>
    %dma_start3A_425 = arith.constant 0 : i32
    %dma_start3A_426 = tpu.memref_slice %arg7[%dma_start3A_425] : memref<100000xf32, #tpu.memory_space<vmem_shared>> -> memref<100000xf32, #tpu.memory_space<vmem_shared>>
    tpu.enqueue_indirect_dma source(%dma_start3A_426 : memref<100000xf32, #tpu.memory_space<vmem_shared>>) target(%dma_start3A_421 : memref<128xf32, #tpu.memory_space<vmem>>) offsets(%dma_start3A_424 : memref<128xi32, #tpu.memory_space<vmem>>) semaphore(%arg8 : memref<!tpu.dma_semaphore, #tpu.memory_space<semaphore_mem>>)
    %add3A_427 = arith.constant 35 : i32
    %add3A_428 = arith.addi %mul3A_7, %add3A_427 : i32
    %add3A_429 = arith.constant 35 : i32
    %add3A_430 = arith.addi %mul3A_7, %add3A_429 : i32
    %dma_start3A_431 = arith.constant 0 : i32
    %dma_start3A_432 = tpu.memref_slice %arg6[%add3A_430, %dma_start3A_431] : memref<50x128xf32, #tpu.memory_space<vmem>> -> memref<1x128xf32, #tpu.memory_space<vmem>>
    %dma_start3A_433 = tpu.memref_squeeze %dma_start3A_432 : memref<1x128xf32, #tpu.memory_space<vmem>> -> memref<128xf32, #tpu.memory_space<vmem>>
    %dma_start3A_434 = arith.constant 0 : i32
    %dma_start3A_435 = tpu.memref_slice %arg5[%add3A_428, %dma_start3A_434] : memref<50x128xi32, #tpu.memory_space<vmem>> -> memref<1x128xi32, #tpu.memory_space<vmem>>
    %dma_start3A_436 = tpu.memref_squeeze %dma_start3A_435 : memref<1x128xi32, #tpu.memory_space<vmem>> -> memref<128xi32, #tpu.memory_space<vmem>>
    %dma_start3A_437 = arith.constant 0 : i32
    %dma_start3A_438 = tpu.memref_slice %arg7[%dma_start3A_437] : memref<100000xf32, #tpu.memory_space<vmem_shared>> -> memref<100000xf32, #tpu.memory_space<vmem_shared>>
    tpu.enqueue_indirect_dma source(%dma_start3A_438 : memref<100000xf32, #tpu.memory_space<vmem_shared>>) target(%dma_start3A_433 : memref<128xf32, #tpu.memory_space<vmem>>) offsets(%dma_start3A_436 : memref<128xi32, #tpu.memory_space<vmem>>) semaphore(%arg8 : memref<!tpu.dma_semaphore, #tpu.memory_space<semaphore_mem>>)
    %add3A_439 = arith.constant 36 : i32
    %add3A_440 = arith.addi %mul3A_7, %add3A_439 : i32
    %add3A_441 = arith.constant 36 : i32
    %add3A_442 = arith.addi %mul3A_7, %add3A_441 : i32
    %dma_start3A_443 = arith.constant 0 : i32
    %dma_start3A_444 = tpu.memref_slice %arg6[%add3A_442, %dma_start3A_443] : memref<50x128xf32, #tpu.memory_space<vmem>> -> memref<1x128xf32, #tpu.memory_space<vmem>>
    %dma_start3A_445 = tpu.memref_squeeze %dma_start3A_444 : memref<1x128xf32, #tpu.memory_space<vmem>> -> memref<128xf32, #tpu.memory_space<vmem>>
    %dma_start3A_446 = arith.constant 0 : i32
    %dma_start3A_447 = tpu.memref_slice %arg5[%add3A_440, %dma_start3A_446] : memref<50x128xi32, #tpu.memory_space<vmem>> -> memref<1x128xi32, #tpu.memory_space<vmem>>
    %dma_start3A_448 = tpu.memref_squeeze %dma_start3A_447 : memref<1x128xi32, #tpu.memory_space<vmem>> -> memref<128xi32, #tpu.memory_space<vmem>>
    %dma_start3A_449 = arith.constant 0 : i32
    %dma_start3A_450 = tpu.memref_slice %arg7[%dma_start3A_449] : memref<100000xf32, #tpu.memory_space<vmem_shared>> -> memref<100000xf32, #tpu.memory_space<vmem_shared>>
    tpu.enqueue_indirect_dma source(%dma_start3A_450 : memref<100000xf32, #tpu.memory_space<vmem_shared>>) target(%dma_start3A_445 : memref<128xf32, #tpu.memory_space<vmem>>) offsets(%dma_start3A_448 : memref<128xi32, #tpu.memory_space<vmem>>) semaphore(%arg8 : memref<!tpu.dma_semaphore, #tpu.memory_space<semaphore_mem>>)
    %add3A_451 = arith.constant 37 : i32
    %add3A_452 = arith.addi %mul3A_7, %add3A_451 : i32
    %add3A_453 = arith.constant 37 : i32
    %add3A_454 = arith.addi %mul3A_7, %add3A_453 : i32
    %dma_start3A_455 = arith.constant 0 : i32
    %dma_start3A_456 = tpu.memref_slice %arg6[%add3A_454, %dma_start3A_455] : memref<50x128xf32, #tpu.memory_space<vmem>> -> memref<1x128xf32, #tpu.memory_space<vmem>>
    %dma_start3A_457 = tpu.memref_squeeze %dma_start3A_456 : memref<1x128xf32, #tpu.memory_space<vmem>> -> memref<128xf32, #tpu.memory_space<vmem>>
    %dma_start3A_458 = arith.constant 0 : i32
    %dma_start3A_459 = tpu.memref_slice %arg5[%add3A_452, %dma_start3A_458] : memref<50x128xi32, #tpu.memory_space<vmem>> -> memref<1x128xi32, #tpu.memory_space<vmem>>
    %dma_start3A_460 = tpu.memref_squeeze %dma_start3A_459 : memref<1x128xi32, #tpu.memory_space<vmem>> -> memref<128xi32, #tpu.memory_space<vmem>>
    %dma_start3A_461 = arith.constant 0 : i32
    %dma_start3A_462 = tpu.memref_slice %arg7[%dma_start3A_461] : memref<100000xf32, #tpu.memory_space<vmem_shared>> -> memref<100000xf32, #tpu.memory_space<vmem_shared>>
    tpu.enqueue_indirect_dma source(%dma_start3A_462 : memref<100000xf32, #tpu.memory_space<vmem_shared>>) target(%dma_start3A_457 : memref<128xf32, #tpu.memory_space<vmem>>) offsets(%dma_start3A_460 : memref<128xi32, #tpu.memory_space<vmem>>) semaphore(%arg8 : memref<!tpu.dma_semaphore, #tpu.memory_space<semaphore_mem>>)
    %add3A_463 = arith.constant 38 : i32
    %add3A_464 = arith.addi %mul3A_7, %add3A_463 : i32
    %add3A_465 = arith.constant 38 : i32
    %add3A_466 = arith.addi %mul3A_7, %add3A_465 : i32
    %dma_start3A_467 = arith.constant 0 : i32
    %dma_start3A_468 = tpu.memref_slice %arg6[%add3A_466, %dma_start3A_467] : memref<50x128xf32, #tpu.memory_space<vmem>> -> memref<1x128xf32, #tpu.memory_space<vmem>>
    %dma_start3A_469 = tpu.memref_squeeze %dma_start3A_468 : memref<1x128xf32, #tpu.memory_space<vmem>> -> memref<128xf32, #tpu.memory_space<vmem>>
    %dma_start3A_470 = arith.constant 0 : i32
    %dma_start3A_471 = tpu.memref_slice %arg5[%add3A_464, %dma_start3A_470] : memref<50x128xi32, #tpu.memory_space<vmem>> -> memref<1x128xi32, #tpu.memory_space<vmem>>
    %dma_start3A_472 = tpu.memref_squeeze %dma_start3A_471 : memref<1x128xi32, #tpu.memory_space<vmem>> -> memref<128xi32, #tpu.memory_space<vmem>>
    %dma_start3A_473 = arith.constant 0 : i32
    %dma_start3A_474 = tpu.memref_slice %arg7[%dma_start3A_473] : memref<100000xf32, #tpu.memory_space<vmem_shared>> -> memref<100000xf32, #tpu.memory_space<vmem_shared>>
    tpu.enqueue_indirect_dma source(%dma_start3A_474 : memref<100000xf32, #tpu.memory_space<vmem_shared>>) target(%dma_start3A_469 : memref<128xf32, #tpu.memory_space<vmem>>) offsets(%dma_start3A_472 : memref<128xi32, #tpu.memory_space<vmem>>) semaphore(%arg8 : memref<!tpu.dma_semaphore, #tpu.memory_space<semaphore_mem>>)
    %add3A_475 = arith.constant 39 : i32
    %add3A_476 = arith.addi %mul3A_7, %add3A_475 : i32
    %add3A_477 = arith.constant 39 : i32
    %add3A_478 = arith.addi %mul3A_7, %add3A_477 : i32
    %dma_start3A_479 = arith.constant 0 : i32
    %dma_start3A_480 = tpu.memref_slice %arg6[%add3A_478, %dma_start3A_479] : memref<50x128xf32, #tpu.memory_space<vmem>> -> memref<1x128xf32, #tpu.memory_space<vmem>>
    %dma_start3A_481 = tpu.memref_squeeze %dma_start3A_480 : memref<1x128xf32, #tpu.memory_space<vmem>> -> memref<128xf32, #tpu.memory_space<vmem>>
    %dma_start3A_482 = arith.constant 0 : i32
    %dma_start3A_483 = tpu.memref_slice %arg5[%add3A_476, %dma_start3A_482] : memref<50x128xi32, #tpu.memory_space<vmem>> -> memref<1x128xi32, #tpu.memory_space<vmem>>
    %dma_start3A_484 = tpu.memref_squeeze %dma_start3A_483 : memref<1x128xi32, #tpu.memory_space<vmem>> -> memref<128xi32, #tpu.memory_space<vmem>>
    %dma_start3A_485 = arith.constant 0 : i32
    %dma_start3A_486 = tpu.memref_slice %arg7[%dma_start3A_485] : memref<100000xf32, #tpu.memory_space<vmem_shared>> -> memref<100000xf32, #tpu.memory_space<vmem_shared>>
    tpu.enqueue_indirect_dma source(%dma_start3A_486 : memref<100000xf32, #tpu.memory_space<vmem_shared>>) target(%dma_start3A_481 : memref<128xf32, #tpu.memory_space<vmem>>) offsets(%dma_start3A_484 : memref<128xi32, #tpu.memory_space<vmem>>) semaphore(%arg8 : memref<!tpu.dma_semaphore, #tpu.memory_space<semaphore_mem>>)
    %add3A_487 = arith.constant 40 : i32
    %add3A_488 = arith.addi %mul3A_7, %add3A_487 : i32
    %add3A_489 = arith.constant 40 : i32
    %add3A_490 = arith.addi %mul3A_7, %add3A_489 : i32
    %dma_start3A_491 = arith.constant 0 : i32
    %dma_start3A_492 = tpu.memref_slice %arg6[%add3A_490, %dma_start3A_491] : memref<50x128xf32, #tpu.memory_space<vmem>> -> memref<1x128xf32, #tpu.memory_space<vmem>>
    %dma_start3A_493 = tpu.memref_squeeze %dma_start3A_492 : memref<1x128xf32, #tpu.memory_space<vmem>> -> memref<128xf32, #tpu.memory_space<vmem>>
    %dma_start3A_494 = arith.constant 0 : i32
    %dma_start3A_495 = tpu.memref_slice %arg5[%add3A_488, %dma_start3A_494] : memref<50x128xi32, #tpu.memory_space<vmem>> -> memref<1x128xi32, #tpu.memory_space<vmem>>
    %dma_start3A_496 = tpu.memref_squeeze %dma_start3A_495 : memref<1x128xi32, #tpu.memory_space<vmem>> -> memref<128xi32, #tpu.memory_space<vmem>>
    %dma_start3A_497 = arith.constant 0 : i32
    %dma_start3A_498 = tpu.memref_slice %arg7[%dma_start3A_497] : memref<100000xf32, #tpu.memory_space<vmem_shared>> -> memref<100000xf32, #tpu.memory_space<vmem_shared>>
    tpu.enqueue_indirect_dma source(%dma_start3A_498 : memref<100000xf32, #tpu.memory_space<vmem_shared>>) target(%dma_start3A_493 : memref<128xf32, #tpu.memory_space<vmem>>) offsets(%dma_start3A_496 : memref<128xi32, #tpu.memory_space<vmem>>) semaphore(%arg8 : memref<!tpu.dma_semaphore, #tpu.memory_space<semaphore_mem>>)
    %add3A_499 = arith.constant 41 : i32
    %add3A_500 = arith.addi %mul3A_7, %add3A_499 : i32
    %add3A_501 = arith.constant 41 : i32
    %add3A_502 = arith.addi %mul3A_7, %add3A_501 : i32
    %dma_start3A_503 = arith.constant 0 : i32
    %dma_start3A_504 = tpu.memref_slice %arg6[%add3A_502, %dma_start3A_503] : memref<50x128xf32, #tpu.memory_space<vmem>> -> memref<1x128xf32, #tpu.memory_space<vmem>>
    %dma_start3A_505 = tpu.memref_squeeze %dma_start3A_504 : memref<1x128xf32, #tpu.memory_space<vmem>> -> memref<128xf32, #tpu.memory_space<vmem>>
    %dma_start3A_506 = arith.constant 0 : i32
    %dma_start3A_507 = tpu.memref_slice %arg5[%add3A_500, %dma_start3A_506] : memref<50x128xi32, #tpu.memory_space<vmem>> -> memref<1x128xi32, #tpu.memory_space<vmem>>
    %dma_start3A_508 = tpu.memref_squeeze %dma_start3A_507 : memref<1x128xi32, #tpu.memory_space<vmem>> -> memref<128xi32, #tpu.memory_space<vmem>>
    %dma_start3A_509 = arith.constant 0 : i32
    %dma_start3A_510 = tpu.memref_slice %arg7[%dma_start3A_509] : memref<100000xf32, #tpu.memory_space<vmem_shared>> -> memref<100000xf32, #tpu.memory_space<vmem_shared>>
    tpu.enqueue_indirect_dma source(%dma_start3A_510 : memref<100000xf32, #tpu.memory_space<vmem_shared>>) target(%dma_start3A_505 : memref<128xf32, #tpu.memory_space<vmem>>) offsets(%dma_start3A_508 : memref<128xi32, #tpu.memory_space<vmem>>) semaphore(%arg8 : memref<!tpu.dma_semaphore, #tpu.memory_space<semaphore_mem>>)
    %add3A_511 = arith.constant 42 : i32
    %add3A_512 = arith.addi %mul3A_7, %add3A_511 : i32
    %add3A_513 = arith.constant 42 : i32
    %add3A_514 = arith.addi %mul3A_7, %add3A_513 : i32
    %dma_start3A_515 = arith.constant 0 : i32
    %dma_start3A_516 = tpu.memref_slice %arg6[%add3A_514, %dma_start3A_515] : memref<50x128xf32, #tpu.memory_space<vmem>> -> memref<1x128xf32, #tpu.memory_space<vmem>>
    %dma_start3A_517 = tpu.memref_squeeze %dma_start3A_516 : memref<1x128xf32, #tpu.memory_space<vmem>> -> memref<128xf32, #tpu.memory_space<vmem>>
    %dma_start3A_518 = arith.constant 0 : i32
    %dma_start3A_519 = tpu.memref_slice %arg5[%add3A_512, %dma_start3A_518] : memref<50x128xi32, #tpu.memory_space<vmem>> -> memref<1x128xi32, #tpu.memory_space<vmem>>
    %dma_start3A_520 = tpu.memref_squeeze %dma_start3A_519 : memref<1x128xi32, #tpu.memory_space<vmem>> -> memref<128xi32, #tpu.memory_space<vmem>>
    %dma_start3A_521 = arith.constant 0 : i32
    %dma_start3A_522 = tpu.memref_slice %arg7[%dma_start3A_521] : memref<100000xf32, #tpu.memory_space<vmem_shared>> -> memref<100000xf32, #tpu.memory_space<vmem_shared>>
    tpu.enqueue_indirect_dma source(%dma_start3A_522 : memref<100000xf32, #tpu.memory_space<vmem_shared>>) target(%dma_start3A_517 : memref<128xf32, #tpu.memory_space<vmem>>) offsets(%dma_start3A_520 : memref<128xi32, #tpu.memory_space<vmem>>) semaphore(%arg8 : memref<!tpu.dma_semaphore, #tpu.memory_space<semaphore_mem>>)
    %add3A_523 = arith.constant 43 : i32
    %add3A_524 = arith.addi %mul3A_7, %add3A_523 : i32
    %add3A_525 = arith.constant 43 : i32
    %add3A_526 = arith.addi %mul3A_7, %add3A_525 : i32
    %dma_start3A_527 = arith.constant 0 : i32
    %dma_start3A_528 = tpu.memref_slice %arg6[%add3A_526, %dma_start3A_527] : memref<50x128xf32, #tpu.memory_space<vmem>> -> memref<1x128xf32, #tpu.memory_space<vmem>>
    %dma_start3A_529 = tpu.memref_squeeze %dma_start3A_528 : memref<1x128xf32, #tpu.memory_space<vmem>> -> memref<128xf32, #tpu.memory_space<vmem>>
    %dma_start3A_530 = arith.constant 0 : i32
    %dma_start3A_531 = tpu.memref_slice %arg5[%add3A_524, %dma_start3A_530] : memref<50x128xi32, #tpu.memory_space<vmem>> -> memref<1x128xi32, #tpu.memory_space<vmem>>
    %dma_start3A_532 = tpu.memref_squeeze %dma_start3A_531 : memref<1x128xi32, #tpu.memory_space<vmem>> -> memref<128xi32, #tpu.memory_space<vmem>>
    %dma_start3A_533 = arith.constant 0 : i32
    %dma_start3A_534 = tpu.memref_slice %arg7[%dma_start3A_533] : memref<100000xf32, #tpu.memory_space<vmem_shared>> -> memref<100000xf32, #tpu.memory_space<vmem_shared>>
    tpu.enqueue_indirect_dma source(%dma_start3A_534 : memref<100000xf32, #tpu.memory_space<vmem_shared>>) target(%dma_start3A_529 : memref<128xf32, #tpu.memory_space<vmem>>) offsets(%dma_start3A_532 : memref<128xi32, #tpu.memory_space<vmem>>) semaphore(%arg8 : memref<!tpu.dma_semaphore, #tpu.memory_space<semaphore_mem>>)
    %add3A_535 = arith.constant 44 : i32
    %add3A_536 = arith.addi %mul3A_7, %add3A_535 : i32
    %add3A_537 = arith.constant 44 : i32
    %add3A_538 = arith.addi %mul3A_7, %add3A_537 : i32
    %dma_start3A_539 = arith.constant 0 : i32
    %dma_start3A_540 = tpu.memref_slice %arg6[%add3A_538, %dma_start3A_539] : memref<50x128xf32, #tpu.memory_space<vmem>> -> memref<1x128xf32, #tpu.memory_space<vmem>>
    %dma_start3A_541 = tpu.memref_squeeze %dma_start3A_540 : memref<1x128xf32, #tpu.memory_space<vmem>> -> memref<128xf32, #tpu.memory_space<vmem>>
    %dma_start3A_542 = arith.constant 0 : i32
    %dma_start3A_543 = tpu.memref_slice %arg5[%add3A_536, %dma_start3A_542] : memref<50x128xi32, #tpu.memory_space<vmem>> -> memref<1x128xi32, #tpu.memory_space<vmem>>
    %dma_start3A_544 = tpu.memref_squeeze %dma_start3A_543 : memref<1x128xi32, #tpu.memory_space<vmem>> -> memref<128xi32, #tpu.memory_space<vmem>>
    %dma_start3A_545 = arith.constant 0 : i32
    %dma_start3A_546 = tpu.memref_slice %arg7[%dma_start3A_545] : memref<100000xf32, #tpu.memory_space<vmem_shared>> -> memref<100000xf32, #tpu.memory_space<vmem_shared>>
    tpu.enqueue_indirect_dma source(%dma_start3A_546 : memref<100000xf32, #tpu.memory_space<vmem_shared>>) target(%dma_start3A_541 : memref<128xf32, #tpu.memory_space<vmem>>) offsets(%dma_start3A_544 : memref<128xi32, #tpu.memory_space<vmem>>) semaphore(%arg8 : memref<!tpu.dma_semaphore, #tpu.memory_space<semaphore_mem>>)
    %add3A_547 = arith.constant 45 : i32
    %add3A_548 = arith.addi %mul3A_7, %add3A_547 : i32
    %add3A_549 = arith.constant 45 : i32
    %add3A_550 = arith.addi %mul3A_7, %add3A_549 : i32
    %dma_start3A_551 = arith.constant 0 : i32
    %dma_start3A_552 = tpu.memref_slice %arg6[%add3A_550, %dma_start3A_551] : memref<50x128xf32, #tpu.memory_space<vmem>> -> memref<1x128xf32, #tpu.memory_space<vmem>>
    %dma_start3A_553 = tpu.memref_squeeze %dma_start3A_552 : memref<1x128xf32, #tpu.memory_space<vmem>> -> memref<128xf32, #tpu.memory_space<vmem>>
    %dma_start3A_554 = arith.constant 0 : i32
    %dma_start3A_555 = tpu.memref_slice %arg5[%add3A_548, %dma_start3A_554] : memref<50x128xi32, #tpu.memory_space<vmem>> -> memref<1x128xi32, #tpu.memory_space<vmem>>
    %dma_start3A_556 = tpu.memref_squeeze %dma_start3A_555 : memref<1x128xi32, #tpu.memory_space<vmem>> -> memref<128xi32, #tpu.memory_space<vmem>>
    %dma_start3A_557 = arith.constant 0 : i32
    %dma_start3A_558 = tpu.memref_slice %arg7[%dma_start3A_557] : memref<100000xf32, #tpu.memory_space<vmem_shared>> -> memref<100000xf32, #tpu.memory_space<vmem_shared>>
    tpu.enqueue_indirect_dma source(%dma_start3A_558 : memref<100000xf32, #tpu.memory_space<vmem_shared>>) target(%dma_start3A_553 : memref<128xf32, #tpu.memory_space<vmem>>) offsets(%dma_start3A_556 : memref<128xi32, #tpu.memory_space<vmem>>) semaphore(%arg8 : memref<!tpu.dma_semaphore, #tpu.memory_space<semaphore_mem>>)
    %add3A_559 = arith.constant 46 : i32
    %add3A_560 = arith.addi %mul3A_7, %add3A_559 : i32
    %add3A_561 = arith.constant 46 : i32
    %add3A_562 = arith.addi %mul3A_7, %add3A_561 : i32
    %dma_start3A_563 = arith.constant 0 : i32
    %dma_start3A_564 = tpu.memref_slice %arg6[%add3A_562, %dma_start3A_563] : memref<50x128xf32, #tpu.memory_space<vmem>> -> memref<1x128xf32, #tpu.memory_space<vmem>>
    %dma_start3A_565 = tpu.memref_squeeze %dma_start3A_564 : memref<1x128xf32, #tpu.memory_space<vmem>> -> memref<128xf32, #tpu.memory_space<vmem>>
    %dma_start3A_566 = arith.constant 0 : i32
    %dma_start3A_567 = tpu.memref_slice %arg5[%add3A_560, %dma_start3A_566] : memref<50x128xi32, #tpu.memory_space<vmem>> -> memref<1x128xi32, #tpu.memory_space<vmem>>
    %dma_start3A_568 = tpu.memref_squeeze %dma_start3A_567 : memref<1x128xi32, #tpu.memory_space<vmem>> -> memref<128xi32, #tpu.memory_space<vmem>>
    %dma_start3A_569 = arith.constant 0 : i32
    %dma_start3A_570 = tpu.memref_slice %arg7[%dma_start3A_569] : memref<100000xf32, #tpu.memory_space<vmem_shared>> -> memref<100000xf32, #tpu.memory_space<vmem_shared>>
    tpu.enqueue_indirect_dma source(%dma_start3A_570 : memref<100000xf32, #tpu.memory_space<vmem_shared>>) target(%dma_start3A_565 : memref<128xf32, #tpu.memory_space<vmem>>) offsets(%dma_start3A_568 : memref<128xi32, #tpu.memory_space<vmem>>) semaphore(%arg8 : memref<!tpu.dma_semaphore, #tpu.memory_space<semaphore_mem>>)
    %add3A_571 = arith.constant 47 : i32
    %add3A_572 = arith.addi %mul3A_7, %add3A_571 : i32
    %add3A_573 = arith.constant 47 : i32
    %add3A_574 = arith.addi %mul3A_7, %add3A_573 : i32
    %dma_start3A_575 = arith.constant 0 : i32
    %dma_start3A_576 = tpu.memref_slice %arg6[%add3A_574, %dma_start3A_575] : memref<50x128xf32, #tpu.memory_space<vmem>> -> memref<1x128xf32, #tpu.memory_space<vmem>>
    %dma_start3A_577 = tpu.memref_squeeze %dma_start3A_576 : memref<1x128xf32, #tpu.memory_space<vmem>> -> memref<128xf32, #tpu.memory_space<vmem>>
    %dma_start3A_578 = arith.constant 0 : i32
    %dma_start3A_579 = tpu.memref_slice %arg5[%add3A_572, %dma_start3A_578] : memref<50x128xi32, #tpu.memory_space<vmem>> -> memref<1x128xi32, #tpu.memory_space<vmem>>
    %dma_start3A_580 = tpu.memref_squeeze %dma_start3A_579 : memref<1x128xi32, #tpu.memory_space<vmem>> -> memref<128xi32, #tpu.memory_space<vmem>>
    %dma_start3A_581 = arith.constant 0 : i32
    %dma_start3A_582 = tpu.memref_slice %arg7[%dma_start3A_581] : memref<100000xf32, #tpu.memory_space<vmem_shared>> -> memref<100000xf32, #tpu.memory_space<vmem_shared>>
    tpu.enqueue_indirect_dma source(%dma_start3A_582 : memref<100000xf32, #tpu.memory_space<vmem_shared>>) target(%dma_start3A_577 : memref<128xf32, #tpu.memory_space<vmem>>) offsets(%dma_start3A_580 : memref<128xi32, #tpu.memory_space<vmem>>) semaphore(%arg8 : memref<!tpu.dma_semaphore, #tpu.memory_space<semaphore_mem>>)
    %add3A_583 = arith.constant 48 : i32
    %add3A_584 = arith.addi %mul3A_7, %add3A_583 : i32
    %add3A_585 = arith.constant 48 : i32
    %add3A_586 = arith.addi %mul3A_7, %add3A_585 : i32
    %dma_start3A_587 = arith.constant 0 : i32
    %dma_start3A_588 = tpu.memref_slice %arg6[%add3A_586, %dma_start3A_587] : memref<50x128xf32, #tpu.memory_space<vmem>> -> memref<1x128xf32, #tpu.memory_space<vmem>>
    %dma_start3A_589 = tpu.memref_squeeze %dma_start3A_588 : memref<1x128xf32, #tpu.memory_space<vmem>> -> memref<128xf32, #tpu.memory_space<vmem>>
    %dma_start3A_590 = arith.constant 0 : i32
    %dma_start3A_591 = tpu.memref_slice %arg5[%add3A_584, %dma_start3A_590] : memref<50x128xi32, #tpu.memory_space<vmem>> -> memref<1x128xi32, #tpu.memory_space<vmem>>
    %dma_start3A_592 = tpu.memref_squeeze %dma_start3A_591 : memref<1x128xi32, #tpu.memory_space<vmem>> -> memref<128xi32, #tpu.memory_space<vmem>>
    %dma_start3A_593 = arith.constant 0 : i32
    %dma_start3A_594 = tpu.memref_slice %arg7[%dma_start3A_593] : memref<100000xf32, #tpu.memory_space<vmem_shared>> -> memref<100000xf32, #tpu.memory_space<vmem_shared>>
    tpu.enqueue_indirect_dma source(%dma_start3A_594 : memref<100000xf32, #tpu.memory_space<vmem_shared>>) target(%dma_start3A_589 : memref<128xf32, #tpu.memory_space<vmem>>) offsets(%dma_start3A_592 : memref<128xi32, #tpu.memory_space<vmem>>) semaphore(%arg8 : memref<!tpu.dma_semaphore, #tpu.memory_space<semaphore_mem>>)
    %add3A_595 = arith.constant 49 : i32
    %add3A_596 = arith.addi %mul3A_7, %add3A_595 : i32
    %add3A_597 = arith.constant 49 : i32
    %add3A_598 = arith.addi %mul3A_7, %add3A_597 : i32
    %dma_start3A_599 = arith.constant 0 : i32
    %dma_start3A_600 = tpu.memref_slice %arg6[%add3A_598, %dma_start3A_599] : memref<50x128xf32, #tpu.memory_space<vmem>> -> memref<1x128xf32, #tpu.memory_space<vmem>>
    %dma_start3A_601 = tpu.memref_squeeze %dma_start3A_600 : memref<1x128xf32, #tpu.memory_space<vmem>> -> memref<128xf32, #tpu.memory_space<vmem>>
    %dma_start3A_602 = arith.constant 0 : i32
    %dma_start3A_603 = tpu.memref_slice %arg5[%add3A_596, %dma_start3A_602] : memref<50x128xi32, #tpu.memory_space<vmem>> -> memref<1x128xi32, #tpu.memory_space<vmem>>
    %dma_start3A_604 = tpu.memref_squeeze %dma_start3A_603 : memref<1x128xi32, #tpu.memory_space<vmem>> -> memref<128xi32, #tpu.memory_space<vmem>>
    %dma_start3A_605 = arith.constant 0 : i32
    %dma_start3A_606 = tpu.memref_slice %arg7[%dma_start3A_605] : memref<100000xf32, #tpu.memory_space<vmem_shared>> -> memref<100000xf32, #tpu.memory_space<vmem_shared>>
    tpu.enqueue_indirect_dma source(%dma_start3A_606 : memref<100000xf32, #tpu.memory_space<vmem_shared>>) target(%dma_start3A_601 : memref<128xf32, #tpu.memory_space<vmem>>) offsets(%dma_start3A_604 : memref<128xi32, #tpu.memory_space<vmem>>) semaphore(%arg8 : memref<!tpu.dma_semaphore, #tpu.memory_space<semaphore_mem>>)
    %dma_wait3A = arith.constant 0 : i32
    %dma_wait3A_607 = tpu.memref_slice %arg6[%add3A_11, %dma_wait3A] : memref<50x128xf32, #tpu.memory_space<vmem>> -> memref<1x128xf32, #tpu.memory_space<vmem>>
    %dma_wait3A_608 = tpu.memref_squeeze %dma_wait3A_607 : memref<1x128xf32, #tpu.memory_space<vmem>> -> memref<128xf32, #tpu.memory_space<vmem>>
    %dma_wait3A_609 = arith.constant 0 : i32
    %dma_wait3A_610 = tpu.memref_slice %arg5[%add3A_9, %dma_wait3A_609] : memref<50x128xi32, #tpu.memory_space<vmem>> -> memref<1x128xi32, #tpu.memory_space<vmem>>
    %dma_wait3A_611 = tpu.memref_squeeze %dma_wait3A_610 : memref<1x128xi32, #tpu.memory_space<vmem>> -> memref<128xi32, #tpu.memory_space<vmem>>
    %dma_wait3A_612 = arith.constant 0 : i32
    %dma_wait3A_613 = tpu.memref_slice %arg7[%dma_wait3A_612] : memref<100000xf32, #tpu.memory_space<vmem_shared>> -> memref<100000xf32, #tpu.memory_space<vmem_shared>>
    tpu.wait_indirect_dma semaphore(%arg8 : memref<!tpu.dma_semaphore, #tpu.memory_space<semaphore_mem>>) src(%dma_wait3A_613 : memref<100000xf32, #tpu.memory_space<vmem_shared>>) dst(%dma_wait3A_608 : memref<128xf32, #tpu.memory_space<vmem>>)
    %dma_wait3A_614 = arith.constant 0 : i32
    %dma_wait3A_615 = tpu.memref_slice %arg6[%add3A_22, %dma_wait3A_614] : memref<50x128xf32, #tpu.memory_space<vmem>> -> memref<1x128xf32, #tpu.memory_space<vmem>>
    %dma_wait3A_616 = tpu.memref_squeeze %dma_wait3A_615 : memref<1x128xf32, #tpu.memory_space<vmem>> -> memref<128xf32, #tpu.memory_space<vmem>>
    %dma_wait3A_617 = arith.constant 0 : i32
    %dma_wait3A_618 = tpu.memref_slice %arg5[%add3A_20, %dma_wait3A_617] : memref<50x128xi32, #tpu.memory_space<vmem>> -> memref<1x128xi32, #tpu.memory_space<vmem>>
    %dma_wait3A_619 = tpu.memref_squeeze %dma_wait3A_618 : memref<1x128xi32, #tpu.memory_space<vmem>> -> memref<128xi32, #tpu.memory_space<vmem>>
    %dma_wait3A_620 = arith.constant 0 : i32
    %dma_wait3A_621 = tpu.memref_slice %arg7[%dma_wait3A_620] : memref<100000xf32, #tpu.memory_space<vmem_shared>> -> memref<100000xf32, #tpu.memory_space<vmem_shared>>
    tpu.wait_indirect_dma semaphore(%arg8 : memref<!tpu.dma_semaphore, #tpu.memory_space<semaphore_mem>>) src(%dma_wait3A_621 : memref<100000xf32, #tpu.memory_space<vmem_shared>>) dst(%dma_wait3A_616 : memref<128xf32, #tpu.memory_space<vmem>>)
    %dma_wait3A_622 = arith.constant 0 : i32
    %dma_wait3A_623 = tpu.memref_slice %arg6[%add3A_34, %dma_wait3A_622] : memref<50x128xf32, #tpu.memory_space<vmem>> -> memref<1x128xf32, #tpu.memory_space<vmem>>
    %dma_wait3A_624 = tpu.memref_squeeze %dma_wait3A_623 : memref<1x128xf32, #tpu.memory_space<vmem>> -> memref<128xf32, #tpu.memory_space<vmem>>
    %dma_wait3A_625 = arith.constant 0 : i32
    %dma_wait3A_626 = tpu.memref_slice %arg5[%add3A_32, %dma_wait3A_625] : memref<50x128xi32, #tpu.memory_space<vmem>> -> memref<1x128xi32, #tpu.memory_space<vmem>>
    %dma_wait3A_627 = tpu.memref_squeeze %dma_wait3A_626 : memref<1x128xi32, #tpu.memory_space<vmem>> -> memref<128xi32, #tpu.memory_space<vmem>>
    %dma_wait3A_628 = arith.constant 0 : i32
    %dma_wait3A_629 = tpu.memref_slice %arg7[%dma_wait3A_628] : memref<100000xf32, #tpu.memory_space<vmem_shared>> -> memref<100000xf32, #tpu.memory_space<vmem_shared>>
    tpu.wait_indirect_dma semaphore(%arg8 : memref<!tpu.dma_semaphore, #tpu.memory_space<semaphore_mem>>) src(%dma_wait3A_629 : memref<100000xf32, #tpu.memory_space<vmem_shared>>) dst(%dma_wait3A_624 : memref<128xf32, #tpu.memory_space<vmem>>)
    %dma_wait3A_630 = arith.constant 0 : i32
    %dma_wait3A_631 = tpu.memref_slice %arg6[%add3A_46, %dma_wait3A_630] : memref<50x128xf32, #tpu.memory_space<vmem>> -> memref<1x128xf32, #tpu.memory_space<vmem>>
    %dma_wait3A_632 = tpu.memref_squeeze %dma_wait3A_631 : memref<1x128xf32, #tpu.memory_space<vmem>> -> memref<128xf32, #tpu.memory_space<vmem>>
    %dma_wait3A_633 = arith.constant 0 : i32
    %dma_wait3A_634 = tpu.memref_slice %arg5[%add3A_44, %dma_wait3A_633] : memref<50x128xi32, #tpu.memory_space<vmem>> -> memref<1x128xi32, #tpu.memory_space<vmem>>
    %dma_wait3A_635 = tpu.memref_squeeze %dma_wait3A_634 : memref<1x128xi32, #tpu.memory_space<vmem>> -> memref<128xi32, #tpu.memory_space<vmem>>
    %dma_wait3A_636 = arith.constant 0 : i32
    %dma_wait3A_637 = tpu.memref_slice %arg7[%dma_wait3A_636] : memref<100000xf32, #tpu.memory_space<vmem_shared>> -> memref<100000xf32, #tpu.memory_space<vmem_shared>>
    tpu.wait_indirect_dma semaphore(%arg8 : memref<!tpu.dma_semaphore, #tpu.memory_space<semaphore_mem>>) src(%dma_wait3A_637 : memref<100000xf32, #tpu.memory_space<vmem_shared>>) dst(%dma_wait3A_632 : memref<128xf32, #tpu.memory_space<vmem>>)
    %dma_wait3A_638 = arith.constant 0 : i32
    %dma_wait3A_639 = tpu.memref_slice %arg6[%add3A_58, %dma_wait3A_638] : memref<50x128xf32, #tpu.memory_space<vmem>> -> memref<1x128xf32, #tpu.memory_space<vmem>>
    %dma_wait3A_640 = tpu.memref_squeeze %dma_wait3A_639 : memref<1x128xf32, #tpu.memory_space<vmem>> -> memref<128xf32, #tpu.memory_space<vmem>>
    %dma_wait3A_641 = arith.constant 0 : i32
    %dma_wait3A_642 = tpu.memref_slice %arg5[%add3A_56, %dma_wait3A_641] : memref<50x128xi32, #tpu.memory_space<vmem>> -> memref<1x128xi32, #tpu.memory_space<vmem>>
    %dma_wait3A_643 = tpu.memref_squeeze %dma_wait3A_642 : memref<1x128xi32, #tpu.memory_space<vmem>> -> memref<128xi32, #tpu.memory_space<vmem>>
    %dma_wait3A_644 = arith.constant 0 : i32
    %dma_wait3A_645 = tpu.memref_slice %arg7[%dma_wait3A_644] : memref<100000xf32, #tpu.memory_space<vmem_shared>> -> memref<100000xf32, #tpu.memory_space<vmem_shared>>
    tpu.wait_indirect_dma semaphore(%arg8 : memref<!tpu.dma_semaphore, #tpu.memory_space<semaphore_mem>>) src(%dma_wait3A_645 : memref<100000xf32, #tpu.memory_space<vmem_shared>>) dst(%dma_wait3A_640 : memref<128xf32, #tpu.memory_space<vmem>>)
    %dma_wait3A_646 = arith.constant 0 : i32
    %dma_wait3A_647 = tpu.memref_slice %arg6[%add3A_70, %dma_wait3A_646] : memref<50x128xf32, #tpu.memory_space<vmem>> -> memref<1x128xf32, #tpu.memory_space<vmem>>
    %dma_wait3A_648 = tpu.memref_squeeze %dma_wait3A_647 : memref<1x128xf32, #tpu.memory_space<vmem>> -> memref<128xf32, #tpu.memory_space<vmem>>
    %dma_wait3A_649 = arith.constant 0 : i32
    %dma_wait3A_650 = tpu.memref_slice %arg5[%add3A_68, %dma_wait3A_649] : memref<50x128xi32, #tpu.memory_space<vmem>> -> memref<1x128xi32, #tpu.memory_space<vmem>>
    %dma_wait3A_651 = tpu.memref_squeeze %dma_wait3A_650 : memref<1x128xi32, #tpu.memory_space<vmem>> -> memref<128xi32, #tpu.memory_space<vmem>>
    %dma_wait3A_652 = arith.constant 0 : i32
    %dma_wait3A_653 = tpu.memref_slice %arg7[%dma_wait3A_652] : memref<100000xf32, #tpu.memory_space<vmem_shared>> -> memref<100000xf32, #tpu.memory_space<vmem_shared>>
    tpu.wait_indirect_dma semaphore(%arg8 : memref<!tpu.dma_semaphore, #tpu.memory_space<semaphore_mem>>) src(%dma_wait3A_653 : memref<100000xf32, #tpu.memory_space<vmem_shared>>) dst(%dma_wait3A_648 : memref<128xf32, #tpu.memory_space<vmem>>)
    %dma_wait3A_654 = arith.constant 0 : i32
    %dma_wait3A_655 = tpu.memref_slice %arg6[%add3A_82, %dma_wait3A_654] : memref<50x128xf32, #tpu.memory_space<vmem>> -> memref<1x128xf32, #tpu.memory_space<vmem>>
    %dma_wait3A_656 = tpu.memref_squeeze %dma_wait3A_655 : memref<1x128xf32, #tpu.memory_space<vmem>> -> memref<128xf32, #tpu.memory_space<vmem>>
    %dma_wait3A_657 = arith.constant 0 : i32
    %dma_wait3A_658 = tpu.memref_slice %arg5[%add3A_80, %dma_wait3A_657] : memref<50x128xi32, #tpu.memory_space<vmem>> -> memref<1x128xi32, #tpu.memory_space<vmem>>
    %dma_wait3A_659 = tpu.memref_squeeze %dma_wait3A_658 : memref<1x128xi32, #tpu.memory_space<vmem>> -> memref<128xi32, #tpu.memory_space<vmem>>
    %dma_wait3A_660 = arith.constant 0 : i32
    %dma_wait3A_661 = tpu.memref_slice %arg7[%dma_wait3A_660] : memref<100000xf32, #tpu.memory_space<vmem_shared>> -> memref<100000xf32, #tpu.memory_space<vmem_shared>>
    tpu.wait_indirect_dma semaphore(%arg8 : memref<!tpu.dma_semaphore, #tpu.memory_space<semaphore_mem>>) src(%dma_wait3A_661 : memref<100000xf32, #tpu.memory_space<vmem_shared>>) dst(%dma_wait3A_656 : memref<128xf32, #tpu.memory_space<vmem>>)
    %dma_wait3A_662 = arith.constant 0 : i32
    %dma_wait3A_663 = tpu.memref_slice %arg6[%add3A_94, %dma_wait3A_662] : memref<50x128xf32, #tpu.memory_space<vmem>> -> memref<1x128xf32, #tpu.memory_space<vmem>>
    %dma_wait3A_664 = tpu.memref_squeeze %dma_wait3A_663 : memref<1x128xf32, #tpu.memory_space<vmem>> -> memref<128xf32, #tpu.memory_space<vmem>>
    %dma_wait3A_665 = arith.constant 0 : i32
    %dma_wait3A_666 = tpu.memref_slice %arg5[%add3A_92, %dma_wait3A_665] : memref<50x128xi32, #tpu.memory_space<vmem>> -> memref<1x128xi32, #tpu.memory_space<vmem>>
    %dma_wait3A_667 = tpu.memref_squeeze %dma_wait3A_666 : memref<1x128xi32, #tpu.memory_space<vmem>> -> memref<128xi32, #tpu.memory_space<vmem>>
    %dma_wait3A_668 = arith.constant 0 : i32
    %dma_wait3A_669 = tpu.memref_slice %arg7[%dma_wait3A_668] : memref<100000xf32, #tpu.memory_space<vmem_shared>> -> memref<100000xf32, #tpu.memory_space<vmem_shared>>
    tpu.wait_indirect_dma semaphore(%arg8 : memref<!tpu.dma_semaphore, #tpu.memory_space<semaphore_mem>>) src(%dma_wait3A_669 : memref<100000xf32, #tpu.memory_space<vmem_shared>>) dst(%dma_wait3A_664 : memref<128xf32, #tpu.memory_space<vmem>>)
    %dma_wait3A_670 = arith.constant 0 : i32
    %dma_wait3A_671 = tpu.memref_slice %arg6[%add3A_106, %dma_wait3A_670] : memref<50x128xf32, #tpu.memory_space<vmem>> -> memref<1x128xf32, #tpu.memory_space<vmem>>
    %dma_wait3A_672 = tpu.memref_squeeze %dma_wait3A_671 : memref<1x128xf32, #tpu.memory_space<vmem>> -> memref<128xf32, #tpu.memory_space<vmem>>
    %dma_wait3A_673 = arith.constant 0 : i32
    %dma_wait3A_674 = tpu.memref_slice %arg5[%add3A_104, %dma_wait3A_673] : memref<50x128xi32, #tpu.memory_space<vmem>> -> memref<1x128xi32, #tpu.memory_space<vmem>>
    %dma_wait3A_675 = tpu.memref_squeeze %dma_wait3A_674 : memref<1x128xi32, #tpu.memory_space<vmem>> -> memref<128xi32, #tpu.memory_space<vmem>>
    %dma_wait3A_676 = arith.constant 0 : i32
    %dma_wait3A_677 = tpu.memref_slice %arg7[%dma_wait3A_676] : memref<100000xf32, #tpu.memory_space<vmem_shared>> -> memref<100000xf32, #tpu.memory_space<vmem_shared>>
    tpu.wait_indirect_dma semaphore(%arg8 : memref<!tpu.dma_semaphore, #tpu.memory_space<semaphore_mem>>) src(%dma_wait3A_677 : memref<100000xf32, #tpu.memory_space<vmem_shared>>) dst(%dma_wait3A_672 : memref<128xf32, #tpu.memory_space<vmem>>)
    %dma_wait3A_678 = arith.constant 0 : i32
    %dma_wait3A_679 = tpu.memref_slice %arg6[%add3A_118, %dma_wait3A_678] : memref<50x128xf32, #tpu.memory_space<vmem>> -> memref<1x128xf32, #tpu.memory_space<vmem>>
    %dma_wait3A_680 = tpu.memref_squeeze %dma_wait3A_679 : memref<1x128xf32, #tpu.memory_space<vmem>> -> memref<128xf32, #tpu.memory_space<vmem>>
    %dma_wait3A_681 = arith.constant 0 : i32
    %dma_wait3A_682 = tpu.memref_slice %arg5[%add3A_116, %dma_wait3A_681] : memref<50x128xi32, #tpu.memory_space<vmem>> -> memref<1x128xi32, #tpu.memory_space<vmem>>
    %dma_wait3A_683 = tpu.memref_squeeze %dma_wait3A_682 : memref<1x128xi32, #tpu.memory_space<vmem>> -> memref<128xi32, #tpu.memory_space<vmem>>
    %dma_wait3A_684 = arith.constant 0 : i32
    %dma_wait3A_685 = tpu.memref_slice %arg7[%dma_wait3A_684] : memref<100000xf32, #tpu.memory_space<vmem_shared>> -> memref<100000xf32, #tpu.memory_space<vmem_shared>>
    tpu.wait_indirect_dma semaphore(%arg8 : memref<!tpu.dma_semaphore, #tpu.memory_space<semaphore_mem>>) src(%dma_wait3A_685 : memref<100000xf32, #tpu.memory_space<vmem_shared>>) dst(%dma_wait3A_680 : memref<128xf32, #tpu.memory_space<vmem>>)
    %dma_wait3A_686 = arith.constant 0 : i32
    %dma_wait3A_687 = tpu.memref_slice %arg6[%add3A_130, %dma_wait3A_686] : memref<50x128xf32, #tpu.memory_space<vmem>> -> memref<1x128xf32, #tpu.memory_space<vmem>>
    %dma_wait3A_688 = tpu.memref_squeeze %dma_wait3A_687 : memref<1x128xf32, #tpu.memory_space<vmem>> -> memref<128xf32, #tpu.memory_space<vmem>>
    %dma_wait3A_689 = arith.constant 0 : i32
    %dma_wait3A_690 = tpu.memref_slice %arg5[%add3A_128, %dma_wait3A_689] : memref<50x128xi32, #tpu.memory_space<vmem>> -> memref<1x128xi32, #tpu.memory_space<vmem>>
    %dma_wait3A_691 = tpu.memref_squeeze %dma_wait3A_690 : memref<1x128xi32, #tpu.memory_space<vmem>> -> memref<128xi32, #tpu.memory_space<vmem>>
    %dma_wait3A_692 = arith.constant 0 : i32
    %dma_wait3A_693 = tpu.memref_slice %arg7[%dma_wait3A_692] : memref<100000xf32, #tpu.memory_space<vmem_shared>> -> memref<100000xf32, #tpu.memory_space<vmem_shared>>
    tpu.wait_indirect_dma semaphore(%arg8 : memref<!tpu.dma_semaphore, #tpu.memory_space<semaphore_mem>>) src(%dma_wait3A_693 : memref<100000xf32, #tpu.memory_space<vmem_shared>>) dst(%dma_wait3A_688 : memref<128xf32, #tpu.memory_space<vmem>>)
    %dma_wait3A_694 = arith.constant 0 : i32
    %dma_wait3A_695 = tpu.memref_slice %arg6[%add3A_142, %dma_wait3A_694] : memref<50x128xf32, #tpu.memory_space<vmem>> -> memref<1x128xf32, #tpu.memory_space<vmem>>
    %dma_wait3A_696 = tpu.memref_squeeze %dma_wait3A_695 : memref<1x128xf32, #tpu.memory_space<vmem>> -> memref<128xf32, #tpu.memory_space<vmem>>
    %dma_wait3A_697 = arith.constant 0 : i32
    %dma_wait3A_698 = tpu.memref_slice %arg5[%add3A_140, %dma_wait3A_697] : memref<50x128xi32, #tpu.memory_space<vmem>> -> memref<1x128xi32, #tpu.memory_space<vmem>>
    %dma_wait3A_699 = tpu.memref_squeeze %dma_wait3A_698 : memref<1x128xi32, #tpu.memory_space<vmem>> -> memref<128xi32, #tpu.memory_space<vmem>>
    %dma_wait3A_700 = arith.constant 0 : i32
    %dma_wait3A_701 = tpu.memref_slice %arg7[%dma_wait3A_700] : memref<100000xf32, #tpu.memory_space<vmem_shared>> -> memref<100000xf32, #tpu.memory_space<vmem_shared>>
    tpu.wait_indirect_dma semaphore(%arg8 : memref<!tpu.dma_semaphore, #tpu.memory_space<semaphore_mem>>) src(%dma_wait3A_701 : memref<100000xf32, #tpu.memory_space<vmem_shared>>) dst(%dma_wait3A_696 : memref<128xf32, #tpu.memory_space<vmem>>)
    %dma_wait3A_702 = arith.constant 0 : i32
    %dma_wait3A_703 = tpu.memref_slice %arg6[%add3A_154, %dma_wait3A_702] : memref<50x128xf32, #tpu.memory_space<vmem>> -> memref<1x128xf32, #tpu.memory_space<vmem>>
    %dma_wait3A_704 = tpu.memref_squeeze %dma_wait3A_703 : memref<1x128xf32, #tpu.memory_space<vmem>> -> memref<128xf32, #tpu.memory_space<vmem>>
    %dma_wait3A_705 = arith.constant 0 : i32
    %dma_wait3A_706 = tpu.memref_slice %arg5[%add3A_152, %dma_wait3A_705] : memref<50x128xi32, #tpu.memory_space<vmem>> -> memref<1x128xi32, #tpu.memory_space<vmem>>
    %dma_wait3A_707 = tpu.memref_squeeze %dma_wait3A_706 : memref<1x128xi32, #tpu.memory_space<vmem>> -> memref<128xi32, #tpu.memory_space<vmem>>
    %dma_wait3A_708 = arith.constant 0 : i32
    %dma_wait3A_709 = tpu.memref_slice %arg7[%dma_wait3A_708] : memref<100000xf32, #tpu.memory_space<vmem_shared>> -> memref<100000xf32, #tpu.memory_space<vmem_shared>>
    tpu.wait_indirect_dma semaphore(%arg8 : memref<!tpu.dma_semaphore, #tpu.memory_space<semaphore_mem>>) src(%dma_wait3A_709 : memref<100000xf32, #tpu.memory_space<vmem_shared>>) dst(%dma_wait3A_704 : memref<128xf32, #tpu.memory_space<vmem>>)
    %dma_wait3A_710 = arith.constant 0 : i32
    %dma_wait3A_711 = tpu.memref_slice %arg6[%add3A_166, %dma_wait3A_710] : memref<50x128xf32, #tpu.memory_space<vmem>> -> memref<1x128xf32, #tpu.memory_space<vmem>>
    %dma_wait3A_712 = tpu.memref_squeeze %dma_wait3A_711 : memref<1x128xf32, #tpu.memory_space<vmem>> -> memref<128xf32, #tpu.memory_space<vmem>>
    %dma_wait3A_713 = arith.constant 0 : i32
    %dma_wait3A_714 = tpu.memref_slice %arg5[%add3A_164, %dma_wait3A_713] : memref<50x128xi32, #tpu.memory_space<vmem>> -> memref<1x128xi32, #tpu.memory_space<vmem>>
    %dma_wait3A_715 = tpu.memref_squeeze %dma_wait3A_714 : memref<1x128xi32, #tpu.memory_space<vmem>> -> memref<128xi32, #tpu.memory_space<vmem>>
    %dma_wait3A_716 = arith.constant 0 : i32
    %dma_wait3A_717 = tpu.memref_slice %arg7[%dma_wait3A_716] : memref<100000xf32, #tpu.memory_space<vmem_shared>> -> memref<100000xf32, #tpu.memory_space<vmem_shared>>
    tpu.wait_indirect_dma semaphore(%arg8 : memref<!tpu.dma_semaphore, #tpu.memory_space<semaphore_mem>>) src(%dma_wait3A_717 : memref<100000xf32, #tpu.memory_space<vmem_shared>>) dst(%dma_wait3A_712 : memref<128xf32, #tpu.memory_space<vmem>>)
    %dma_wait3A_718 = arith.constant 0 : i32
    %dma_wait3A_719 = tpu.memref_slice %arg6[%add3A_178, %dma_wait3A_718] : memref<50x128xf32, #tpu.memory_space<vmem>> -> memref<1x128xf32, #tpu.memory_space<vmem>>
    %dma_wait3A_720 = tpu.memref_squeeze %dma_wait3A_719 : memref<1x128xf32, #tpu.memory_space<vmem>> -> memref<128xf32, #tpu.memory_space<vmem>>
    %dma_wait3A_721 = arith.constant 0 : i32
    %dma_wait3A_722 = tpu.memref_slice %arg5[%add3A_176, %dma_wait3A_721] : memref<50x128xi32, #tpu.memory_space<vmem>> -> memref<1x128xi32, #tpu.memory_space<vmem>>
    %dma_wait3A_723 = tpu.memref_squeeze %dma_wait3A_722 : memref<1x128xi32, #tpu.memory_space<vmem>> -> memref<128xi32, #tpu.memory_space<vmem>>
    %dma_wait3A_724 = arith.constant 0 : i32
    %dma_wait3A_725 = tpu.memref_slice %arg7[%dma_wait3A_724] : memref<100000xf32, #tpu.memory_space<vmem_shared>> -> memref<100000xf32, #tpu.memory_space<vmem_shared>>
    tpu.wait_indirect_dma semaphore(%arg8 : memref<!tpu.dma_semaphore, #tpu.memory_space<semaphore_mem>>) src(%dma_wait3A_725 : memref<100000xf32, #tpu.memory_space<vmem_shared>>) dst(%dma_wait3A_720 : memref<128xf32, #tpu.memory_space<vmem>>)
    %dma_wait3A_726 = arith.constant 0 : i32
    %dma_wait3A_727 = tpu.memref_slice %arg6[%add3A_190, %dma_wait3A_726] : memref<50x128xf32, #tpu.memory_space<vmem>> -> memref<1x128xf32, #tpu.memory_space<vmem>>
    %dma_wait3A_728 = tpu.memref_squeeze %dma_wait3A_727 : memref<1x128xf32, #tpu.memory_space<vmem>> -> memref<128xf32, #tpu.memory_space<vmem>>
    %dma_wait3A_729 = arith.constant 0 : i32
    %dma_wait3A_730 = tpu.memref_slice %arg5[%add3A_188, %dma_wait3A_729] : memref<50x128xi32, #tpu.memory_space<vmem>> -> memref<1x128xi32, #tpu.memory_space<vmem>>
    %dma_wait3A_731 = tpu.memref_squeeze %dma_wait3A_730 : memref<1x128xi32, #tpu.memory_space<vmem>> -> memref<128xi32, #tpu.memory_space<vmem>>
    %dma_wait3A_732 = arith.constant 0 : i32
    %dma_wait3A_733 = tpu.memref_slice %arg7[%dma_wait3A_732] : memref<100000xf32, #tpu.memory_space<vmem_shared>> -> memref<100000xf32, #tpu.memory_space<vmem_shared>>
    tpu.wait_indirect_dma semaphore(%arg8 : memref<!tpu.dma_semaphore, #tpu.memory_space<semaphore_mem>>) src(%dma_wait3A_733 : memref<100000xf32, #tpu.memory_space<vmem_shared>>) dst(%dma_wait3A_728 : memref<128xf32, #tpu.memory_space<vmem>>)
    %dma_wait3A_734 = arith.constant 0 : i32
    %dma_wait3A_735 = tpu.memref_slice %arg6[%add3A_202, %dma_wait3A_734] : memref<50x128xf32, #tpu.memory_space<vmem>> -> memref<1x128xf32, #tpu.memory_space<vmem>>
    %dma_wait3A_736 = tpu.memref_squeeze %dma_wait3A_735 : memref<1x128xf32, #tpu.memory_space<vmem>> -> memref<128xf32, #tpu.memory_space<vmem>>
    %dma_wait3A_737 = arith.constant 0 : i32
    %dma_wait3A_738 = tpu.memref_slice %arg5[%add3A_200, %dma_wait3A_737] : memref<50x128xi32, #tpu.memory_space<vmem>> -> memref<1x128xi32, #tpu.memory_space<vmem>>
    %dma_wait3A_739 = tpu.memref_squeeze %dma_wait3A_738 : memref<1x128xi32, #tpu.memory_space<vmem>> -> memref<128xi32, #tpu.memory_space<vmem>>
    %dma_wait3A_740 = arith.constant 0 : i32
    %dma_wait3A_741 = tpu.memref_slice %arg7[%dma_wait3A_740] : memref<100000xf32, #tpu.memory_space<vmem_shared>> -> memref<100000xf32, #tpu.memory_space<vmem_shared>>
    tpu.wait_indirect_dma semaphore(%arg8 : memref<!tpu.dma_semaphore, #tpu.memory_space<semaphore_mem>>) src(%dma_wait3A_741 : memref<100000xf32, #tpu.memory_space<vmem_shared>>) dst(%dma_wait3A_736 : memref<128xf32, #tpu.memory_space<vmem>>)
    %dma_wait3A_742 = arith.constant 0 : i32
    %dma_wait3A_743 = tpu.memref_slice %arg6[%add3A_214, %dma_wait3A_742] : memref<50x128xf32, #tpu.memory_space<vmem>> -> memref<1x128xf32, #tpu.memory_space<vmem>>
    %dma_wait3A_744 = tpu.memref_squeeze %dma_wait3A_743 : memref<1x128xf32, #tpu.memory_space<vmem>> -> memref<128xf32, #tpu.memory_space<vmem>>
    %dma_wait3A_745 = arith.constant 0 : i32
    %dma_wait3A_746 = tpu.memref_slice %arg5[%add3A_212, %dma_wait3A_745] : memref<50x128xi32, #tpu.memory_space<vmem>> -> memref<1x128xi32, #tpu.memory_space<vmem>>
    %dma_wait3A_747 = tpu.memref_squeeze %dma_wait3A_746 : memref<1x128xi32, #tpu.memory_space<vmem>> -> memref<128xi32, #tpu.memory_space<vmem>>
    %dma_wait3A_748 = arith.constant 0 : i32
    %dma_wait3A_749 = tpu.memref_slice %arg7[%dma_wait3A_748] : memref<100000xf32, #tpu.memory_space<vmem_shared>> -> memref<100000xf32, #tpu.memory_space<vmem_shared>>
    tpu.wait_indirect_dma semaphore(%arg8 : memref<!tpu.dma_semaphore, #tpu.memory_space<semaphore_mem>>) src(%dma_wait3A_749 : memref<100000xf32, #tpu.memory_space<vmem_shared>>) dst(%dma_wait3A_744 : memref<128xf32, #tpu.memory_space<vmem>>)
    %dma_wait3A_750 = arith.constant 0 : i32
    %dma_wait3A_751 = tpu.memref_slice %arg6[%add3A_226, %dma_wait3A_750] : memref<50x128xf32, #tpu.memory_space<vmem>> -> memref<1x128xf32, #tpu.memory_space<vmem>>
    %dma_wait3A_752 = tpu.memref_squeeze %dma_wait3A_751 : memref<1x128xf32, #tpu.memory_space<vmem>> -> memref<128xf32, #tpu.memory_space<vmem>>
    %dma_wait3A_753 = arith.constant 0 : i32
    %dma_wait3A_754 = tpu.memref_slice %arg5[%add3A_224, %dma_wait3A_753] : memref<50x128xi32, #tpu.memory_space<vmem>> -> memref<1x128xi32, #tpu.memory_space<vmem>>
    %dma_wait3A_755 = tpu.memref_squeeze %dma_wait3A_754 : memref<1x128xi32, #tpu.memory_space<vmem>> -> memref<128xi32, #tpu.memory_space<vmem>>
    %dma_wait3A_756 = arith.constant 0 : i32
    %dma_wait3A_757 = tpu.memref_slice %arg7[%dma_wait3A_756] : memref<100000xf32, #tpu.memory_space<vmem_shared>> -> memref<100000xf32, #tpu.memory_space<vmem_shared>>
    tpu.wait_indirect_dma semaphore(%arg8 : memref<!tpu.dma_semaphore, #tpu.memory_space<semaphore_mem>>) src(%dma_wait3A_757 : memref<100000xf32, #tpu.memory_space<vmem_shared>>) dst(%dma_wait3A_752 : memref<128xf32, #tpu.memory_space<vmem>>)
    %dma_wait3A_758 = arith.constant 0 : i32
    %dma_wait3A_759 = tpu.memref_slice %arg6[%add3A_238, %dma_wait3A_758] : memref<50x128xf32, #tpu.memory_space<vmem>> -> memref<1x128xf32, #tpu.memory_space<vmem>>
    %dma_wait3A_760 = tpu.memref_squeeze %dma_wait3A_759 : memref<1x128xf32, #tpu.memory_space<vmem>> -> memref<128xf32, #tpu.memory_space<vmem>>
    %dma_wait3A_761 = arith.constant 0 : i32
    %dma_wait3A_762 = tpu.memref_slice %arg5[%add3A_236, %dma_wait3A_761] : memref<50x128xi32, #tpu.memory_space<vmem>> -> memref<1x128xi32, #tpu.memory_space<vmem>>
    %dma_wait3A_763 = tpu.memref_squeeze %dma_wait3A_762 : memref<1x128xi32, #tpu.memory_space<vmem>> -> memref<128xi32, #tpu.memory_space<vmem>>
    %dma_wait3A_764 = arith.constant 0 : i32
    %dma_wait3A_765 = tpu.memref_slice %arg7[%dma_wait3A_764] : memref<100000xf32, #tpu.memory_space<vmem_shared>> -> memref<100000xf32, #tpu.memory_space<vmem_shared>>
    tpu.wait_indirect_dma semaphore(%arg8 : memref<!tpu.dma_semaphore, #tpu.memory_space<semaphore_mem>>) src(%dma_wait3A_765 : memref<100000xf32, #tpu.memory_space<vmem_shared>>) dst(%dma_wait3A_760 : memref<128xf32, #tpu.memory_space<vmem>>)
    %dma_wait3A_766 = arith.constant 0 : i32
    %dma_wait3A_767 = tpu.memref_slice %arg6[%add3A_250, %dma_wait3A_766] : memref<50x128xf32, #tpu.memory_space<vmem>> -> memref<1x128xf32, #tpu.memory_space<vmem>>
    %dma_wait3A_768 = tpu.memref_squeeze %dma_wait3A_767 : memref<1x128xf32, #tpu.memory_space<vmem>> -> memref<128xf32, #tpu.memory_space<vmem>>
    %dma_wait3A_769 = arith.constant 0 : i32
    %dma_wait3A_770 = tpu.memref_slice %arg5[%add3A_248, %dma_wait3A_769] : memref<50x128xi32, #tpu.memory_space<vmem>> -> memref<1x128xi32, #tpu.memory_space<vmem>>
    %dma_wait3A_771 = tpu.memref_squeeze %dma_wait3A_770 : memref<1x128xi32, #tpu.memory_space<vmem>> -> memref<128xi32, #tpu.memory_space<vmem>>
    %dma_wait3A_772 = arith.constant 0 : i32
    %dma_wait3A_773 = tpu.memref_slice %arg7[%dma_wait3A_772] : memref<100000xf32, #tpu.memory_space<vmem_shared>> -> memref<100000xf32, #tpu.memory_space<vmem_shared>>
    tpu.wait_indirect_dma semaphore(%arg8 : memref<!tpu.dma_semaphore, #tpu.memory_space<semaphore_mem>>) src(%dma_wait3A_773 : memref<100000xf32, #tpu.memory_space<vmem_shared>>) dst(%dma_wait3A_768 : memref<128xf32, #tpu.memory_space<vmem>>)
    %dma_wait3A_774 = arith.constant 0 : i32
    %dma_wait3A_775 = tpu.memref_slice %arg6[%add3A_262, %dma_wait3A_774] : memref<50x128xf32, #tpu.memory_space<vmem>> -> memref<1x128xf32, #tpu.memory_space<vmem>>
    %dma_wait3A_776 = tpu.memref_squeeze %dma_wait3A_775 : memref<1x128xf32, #tpu.memory_space<vmem>> -> memref<128xf32, #tpu.memory_space<vmem>>
    %dma_wait3A_777 = arith.constant 0 : i32
    %dma_wait3A_778 = tpu.memref_slice %arg5[%add3A_260, %dma_wait3A_777] : memref<50x128xi32, #tpu.memory_space<vmem>> -> memref<1x128xi32, #tpu.memory_space<vmem>>
    %dma_wait3A_779 = tpu.memref_squeeze %dma_wait3A_778 : memref<1x128xi32, #tpu.memory_space<vmem>> -> memref<128xi32, #tpu.memory_space<vmem>>
    %dma_wait3A_780 = arith.constant 0 : i32
    %dma_wait3A_781 = tpu.memref_slice %arg7[%dma_wait3A_780] : memref<100000xf32, #tpu.memory_space<vmem_shared>> -> memref<100000xf32, #tpu.memory_space<vmem_shared>>
    tpu.wait_indirect_dma semaphore(%arg8 : memref<!tpu.dma_semaphore, #tpu.memory_space<semaphore_mem>>) src(%dma_wait3A_781 : memref<100000xf32, #tpu.memory_space<vmem_shared>>) dst(%dma_wait3A_776 : memref<128xf32, #tpu.memory_space<vmem>>)
    %dma_wait3A_782 = arith.constant 0 : i32
    %dma_wait3A_783 = tpu.memref_slice %arg6[%add3A_274, %dma_wait3A_782] : memref<50x128xf32, #tpu.memory_space<vmem>> -> memref<1x128xf32, #tpu.memory_space<vmem>>
    %dma_wait3A_784 = tpu.memref_squeeze %dma_wait3A_783 : memref<1x128xf32, #tpu.memory_space<vmem>> -> memref<128xf32, #tpu.memory_space<vmem>>
    %dma_wait3A_785 = arith.constant 0 : i32
    %dma_wait3A_786 = tpu.memref_slice %arg5[%add3A_272, %dma_wait3A_785] : memref<50x128xi32, #tpu.memory_space<vmem>> -> memref<1x128xi32, #tpu.memory_space<vmem>>
    %dma_wait3A_787 = tpu.memref_squeeze %dma_wait3A_786 : memref<1x128xi32, #tpu.memory_space<vmem>> -> memref<128xi32, #tpu.memory_space<vmem>>
    %dma_wait3A_788 = arith.constant 0 : i32
    %dma_wait3A_789 = tpu.memref_slice %arg7[%dma_wait3A_788] : memref<100000xf32, #tpu.memory_space<vmem_shared>> -> memref<100000xf32, #tpu.memory_space<vmem_shared>>
    tpu.wait_indirect_dma semaphore(%arg8 : memref<!tpu.dma_semaphore, #tpu.memory_space<semaphore_mem>>) src(%dma_wait3A_789 : memref<100000xf32, #tpu.memory_space<vmem_shared>>) dst(%dma_wait3A_784 : memref<128xf32, #tpu.memory_space<vmem>>)
    %dma_wait3A_790 = arith.constant 0 : i32
    %dma_wait3A_791 = tpu.memref_slice %arg6[%add3A_286, %dma_wait3A_790] : memref<50x128xf32, #tpu.memory_space<vmem>> -> memref<1x128xf32, #tpu.memory_space<vmem>>
    %dma_wait3A_792 = tpu.memref_squeeze %dma_wait3A_791 : memref<1x128xf32, #tpu.memory_space<vmem>> -> memref<128xf32, #tpu.memory_space<vmem>>
    %dma_wait3A_793 = arith.constant 0 : i32
    %dma_wait3A_794 = tpu.memref_slice %arg5[%add3A_284, %dma_wait3A_793] : memref<50x128xi32, #tpu.memory_space<vmem>> -> memref<1x128xi32, #tpu.memory_space<vmem>>
    %dma_wait3A_795 = tpu.memref_squeeze %dma_wait3A_794 : memref<1x128xi32, #tpu.memory_space<vmem>> -> memref<128xi32, #tpu.memory_space<vmem>>
    %dma_wait3A_796 = arith.constant 0 : i32
    %dma_wait3A_797 = tpu.memref_slice %arg7[%dma_wait3A_796] : memref<100000xf32, #tpu.memory_space<vmem_shared>> -> memref<100000xf32, #tpu.memory_space<vmem_shared>>
    tpu.wait_indirect_dma semaphore(%arg8 : memref<!tpu.dma_semaphore, #tpu.memory_space<semaphore_mem>>) src(%dma_wait3A_797 : memref<100000xf32, #tpu.memory_space<vmem_shared>>) dst(%dma_wait3A_792 : memref<128xf32, #tpu.memory_space<vmem>>)
    %dma_wait3A_798 = arith.constant 0 : i32
    %dma_wait3A_799 = tpu.memref_slice %arg6[%add3A_298, %dma_wait3A_798] : memref<50x128xf32, #tpu.memory_space<vmem>> -> memref<1x128xf32, #tpu.memory_space<vmem>>
    %dma_wait3A_800 = tpu.memref_squeeze %dma_wait3A_799 : memref<1x128xf32, #tpu.memory_space<vmem>> -> memref<128xf32, #tpu.memory_space<vmem>>
    %dma_wait3A_801 = arith.constant 0 : i32
    %dma_wait3A_802 = tpu.memref_slice %arg5[%add3A_296, %dma_wait3A_801] : memref<50x128xi32, #tpu.memory_space<vmem>> -> memref<1x128xi32, #tpu.memory_space<vmem>>
    %dma_wait3A_803 = tpu.memref_squeeze %dma_wait3A_802 : memref<1x128xi32, #tpu.memory_space<vmem>> -> memref<128xi32, #tpu.memory_space<vmem>>
    %dma_wait3A_804 = arith.constant 0 : i32
    %dma_wait3A_805 = tpu.memref_slice %arg7[%dma_wait3A_804] : memref<100000xf32, #tpu.memory_space<vmem_shared>> -> memref<100000xf32, #tpu.memory_space<vmem_shared>>
    tpu.wait_indirect_dma semaphore(%arg8 : memref<!tpu.dma_semaphore, #tpu.memory_space<semaphore_mem>>) src(%dma_wait3A_805 : memref<100000xf32, #tpu.memory_space<vmem_shared>>) dst(%dma_wait3A_800 : memref<128xf32, #tpu.memory_space<vmem>>)
    %dma_wait3A_806 = arith.constant 0 : i32
    %dma_wait3A_807 = tpu.memref_slice %arg6[%add3A_310, %dma_wait3A_806] : memref<50x128xf32, #tpu.memory_space<vmem>> -> memref<1x128xf32, #tpu.memory_space<vmem>>
    %dma_wait3A_808 = tpu.memref_squeeze %dma_wait3A_807 : memref<1x128xf32, #tpu.memory_space<vmem>> -> memref<128xf32, #tpu.memory_space<vmem>>
    %dma_wait3A_809 = arith.constant 0 : i32
    %dma_wait3A_810 = tpu.memref_slice %arg5[%add3A_308, %dma_wait3A_809] : memref<50x128xi32, #tpu.memory_space<vmem>> -> memref<1x128xi32, #tpu.memory_space<vmem>>
    %dma_wait3A_811 = tpu.memref_squeeze %dma_wait3A_810 : memref<1x128xi32, #tpu.memory_space<vmem>> -> memref<128xi32, #tpu.memory_space<vmem>>
    %dma_wait3A_812 = arith.constant 0 : i32
    %dma_wait3A_813 = tpu.memref_slice %arg7[%dma_wait3A_812] : memref<100000xf32, #tpu.memory_space<vmem_shared>> -> memref<100000xf32, #tpu.memory_space<vmem_shared>>
    tpu.wait_indirect_dma semaphore(%arg8 : memref<!tpu.dma_semaphore, #tpu.memory_space<semaphore_mem>>) src(%dma_wait3A_813 : memref<100000xf32, #tpu.memory_space<vmem_shared>>) dst(%dma_wait3A_808 : memref<128xf32, #tpu.memory_space<vmem>>)
    %dma_wait3A_814 = arith.constant 0 : i32
    %dma_wait3A_815 = tpu.memref_slice %arg6[%add3A_322, %dma_wait3A_814] : memref<50x128xf32, #tpu.memory_space<vmem>> -> memref<1x128xf32, #tpu.memory_space<vmem>>
    %dma_wait3A_816 = tpu.memref_squeeze %dma_wait3A_815 : memref<1x128xf32, #tpu.memory_space<vmem>> -> memref<128xf32, #tpu.memory_space<vmem>>
    %dma_wait3A_817 = arith.constant 0 : i32
    %dma_wait3A_818 = tpu.memref_slice %arg5[%add3A_320, %dma_wait3A_817] : memref<50x128xi32, #tpu.memory_space<vmem>> -> memref<1x128xi32, #tpu.memory_space<vmem>>
    %dma_wait3A_819 = tpu.memref_squeeze %dma_wait3A_818 : memref<1x128xi32, #tpu.memory_space<vmem>> -> memref<128xi32, #tpu.memory_space<vmem>>
    %dma_wait3A_820 = arith.constant 0 : i32
    %dma_wait3A_821 = tpu.memref_slice %arg7[%dma_wait3A_820] : memref<100000xf32, #tpu.memory_space<vmem_shared>> -> memref<100000xf32, #tpu.memory_space<vmem_shared>>
    tpu.wait_indirect_dma semaphore(%arg8 : memref<!tpu.dma_semaphore, #tpu.memory_space<semaphore_mem>>) src(%dma_wait3A_821 : memref<100000xf32, #tpu.memory_space<vmem_shared>>) dst(%dma_wait3A_816 : memref<128xf32, #tpu.memory_space<vmem>>)
    %dma_wait3A_822 = arith.constant 0 : i32
    %dma_wait3A_823 = tpu.memref_slice %arg6[%add3A_334, %dma_wait3A_822] : memref<50x128xf32, #tpu.memory_space<vmem>> -> memref<1x128xf32, #tpu.memory_space<vmem>>
    %dma_wait3A_824 = tpu.memref_squeeze %dma_wait3A_823 : memref<1x128xf32, #tpu.memory_space<vmem>> -> memref<128xf32, #tpu.memory_space<vmem>>
    %dma_wait3A_825 = arith.constant 0 : i32
    %dma_wait3A_826 = tpu.memref_slice %arg5[%add3A_332, %dma_wait3A_825] : memref<50x128xi32, #tpu.memory_space<vmem>> -> memref<1x128xi32, #tpu.memory_space<vmem>>
    %dma_wait3A_827 = tpu.memref_squeeze %dma_wait3A_826 : memref<1x128xi32, #tpu.memory_space<vmem>> -> memref<128xi32, #tpu.memory_space<vmem>>
    %dma_wait3A_828 = arith.constant 0 : i32
    %dma_wait3A_829 = tpu.memref_slice %arg7[%dma_wait3A_828] : memref<100000xf32, #tpu.memory_space<vmem_shared>> -> memref<100000xf32, #tpu.memory_space<vmem_shared>>
    tpu.wait_indirect_dma semaphore(%arg8 : memref<!tpu.dma_semaphore, #tpu.memory_space<semaphore_mem>>) src(%dma_wait3A_829 : memref<100000xf32, #tpu.memory_space<vmem_shared>>) dst(%dma_wait3A_824 : memref<128xf32, #tpu.memory_space<vmem>>)
    %dma_wait3A_830 = arith.constant 0 : i32
    %dma_wait3A_831 = tpu.memref_slice %arg6[%add3A_346, %dma_wait3A_830] : memref<50x128xf32, #tpu.memory_space<vmem>> -> memref<1x128xf32, #tpu.memory_space<vmem>>
    %dma_wait3A_832 = tpu.memref_squeeze %dma_wait3A_831 : memref<1x128xf32, #tpu.memory_space<vmem>> -> memref<128xf32, #tpu.memory_space<vmem>>
    %dma_wait3A_833 = arith.constant 0 : i32
    %dma_wait3A_834 = tpu.memref_slice %arg5[%add3A_344, %dma_wait3A_833] : memref<50x128xi32, #tpu.memory_space<vmem>> -> memref<1x128xi32, #tpu.memory_space<vmem>>
    %dma_wait3A_835 = tpu.memref_squeeze %dma_wait3A_834 : memref<1x128xi32, #tpu.memory_space<vmem>> -> memref<128xi32, #tpu.memory_space<vmem>>
    %dma_wait3A_836 = arith.constant 0 : i32
    %dma_wait3A_837 = tpu.memref_slice %arg7[%dma_wait3A_836] : memref<100000xf32, #tpu.memory_space<vmem_shared>> -> memref<100000xf32, #tpu.memory_space<vmem_shared>>
    tpu.wait_indirect_dma semaphore(%arg8 : memref<!tpu.dma_semaphore, #tpu.memory_space<semaphore_mem>>) src(%dma_wait3A_837 : memref<100000xf32, #tpu.memory_space<vmem_shared>>) dst(%dma_wait3A_832 : memref<128xf32, #tpu.memory_space<vmem>>)
    %dma_wait3A_838 = arith.constant 0 : i32
    %dma_wait3A_839 = tpu.memref_slice %arg6[%add3A_358, %dma_wait3A_838] : memref<50x128xf32, #tpu.memory_space<vmem>> -> memref<1x128xf32, #tpu.memory_space<vmem>>
    %dma_wait3A_840 = tpu.memref_squeeze %dma_wait3A_839 : memref<1x128xf32, #tpu.memory_space<vmem>> -> memref<128xf32, #tpu.memory_space<vmem>>
    %dma_wait3A_841 = arith.constant 0 : i32
    %dma_wait3A_842 = tpu.memref_slice %arg5[%add3A_356, %dma_wait3A_841] : memref<50x128xi32, #tpu.memory_space<vmem>> -> memref<1x128xi32, #tpu.memory_space<vmem>>
    %dma_wait3A_843 = tpu.memref_squeeze %dma_wait3A_842 : memref<1x128xi32, #tpu.memory_space<vmem>> -> memref<128xi32, #tpu.memory_space<vmem>>
    %dma_wait3A_844 = arith.constant 0 : i32
    %dma_wait3A_845 = tpu.memref_slice %arg7[%dma_wait3A_844] : memref<100000xf32, #tpu.memory_space<vmem_shared>> -> memref<100000xf32, #tpu.memory_space<vmem_shared>>
    tpu.wait_indirect_dma semaphore(%arg8 : memref<!tpu.dma_semaphore, #tpu.memory_space<semaphore_mem>>) src(%dma_wait3A_845 : memref<100000xf32, #tpu.memory_space<vmem_shared>>) dst(%dma_wait3A_840 : memref<128xf32, #tpu.memory_space<vmem>>)
    %dma_wait3A_846 = arith.constant 0 : i32
    %dma_wait3A_847 = tpu.memref_slice %arg6[%add3A_370, %dma_wait3A_846] : memref<50x128xf32, #tpu.memory_space<vmem>> -> memref<1x128xf32, #tpu.memory_space<vmem>>
    %dma_wait3A_848 = tpu.memref_squeeze %dma_wait3A_847 : memref<1x128xf32, #tpu.memory_space<vmem>> -> memref<128xf32, #tpu.memory_space<vmem>>
    %dma_wait3A_849 = arith.constant 0 : i32
    %dma_wait3A_850 = tpu.memref_slice %arg5[%add3A_368, %dma_wait3A_849] : memref<50x128xi32, #tpu.memory_space<vmem>> -> memref<1x128xi32, #tpu.memory_space<vmem>>
    %dma_wait3A_851 = tpu.memref_squeeze %dma_wait3A_850 : memref<1x128xi32, #tpu.memory_space<vmem>> -> memref<128xi32, #tpu.memory_space<vmem>>
    %dma_wait3A_852 = arith.constant 0 : i32
    %dma_wait3A_853 = tpu.memref_slice %arg7[%dma_wait3A_852] : memref<100000xf32, #tpu.memory_space<vmem_shared>> -> memref<100000xf32, #tpu.memory_space<vmem_shared>>
    tpu.wait_indirect_dma semaphore(%arg8 : memref<!tpu.dma_semaphore, #tpu.memory_space<semaphore_mem>>) src(%dma_wait3A_853 : memref<100000xf32, #tpu.memory_space<vmem_shared>>) dst(%dma_wait3A_848 : memref<128xf32, #tpu.memory_space<vmem>>)
    %dma_wait3A_854 = arith.constant 0 : i32
    %dma_wait3A_855 = tpu.memref_slice %arg6[%add3A_382, %dma_wait3A_854] : memref<50x128xf32, #tpu.memory_space<vmem>> -> memref<1x128xf32, #tpu.memory_space<vmem>>
    %dma_wait3A_856 = tpu.memref_squeeze %dma_wait3A_855 : memref<1x128xf32, #tpu.memory_space<vmem>> -> memref<128xf32, #tpu.memory_space<vmem>>
    %dma_wait3A_857 = arith.constant 0 : i32
    %dma_wait3A_858 = tpu.memref_slice %arg5[%add3A_380, %dma_wait3A_857] : memref<50x128xi32, #tpu.memory_space<vmem>> -> memref<1x128xi32, #tpu.memory_space<vmem>>
    %dma_wait3A_859 = tpu.memref_squeeze %dma_wait3A_858 : memref<1x128xi32, #tpu.memory_space<vmem>> -> memref<128xi32, #tpu.memory_space<vmem>>
    %dma_wait3A_860 = arith.constant 0 : i32
    %dma_wait3A_861 = tpu.memref_slice %arg7[%dma_wait3A_860] : memref<100000xf32, #tpu.memory_space<vmem_shared>> -> memref<100000xf32, #tpu.memory_space<vmem_shared>>
    tpu.wait_indirect_dma semaphore(%arg8 : memref<!tpu.dma_semaphore, #tpu.memory_space<semaphore_mem>>) src(%dma_wait3A_861 : memref<100000xf32, #tpu.memory_space<vmem_shared>>) dst(%dma_wait3A_856 : memref<128xf32, #tpu.memory_space<vmem>>)
    %dma_wait3A_862 = arith.constant 0 : i32
    %dma_wait3A_863 = tpu.memref_slice %arg6[%add3A_394, %dma_wait3A_862] : memref<50x128xf32, #tpu.memory_space<vmem>> -> memref<1x128xf32, #tpu.memory_space<vmem>>
    %dma_wait3A_864 = tpu.memref_squeeze %dma_wait3A_863 : memref<1x128xf32, #tpu.memory_space<vmem>> -> memref<128xf32, #tpu.memory_space<vmem>>
    %dma_wait3A_865 = arith.constant 0 : i32
    %dma_wait3A_866 = tpu.memref_slice %arg5[%add3A_392, %dma_wait3A_865] : memref<50x128xi32, #tpu.memory_space<vmem>> -> memref<1x128xi32, #tpu.memory_space<vmem>>
    %dma_wait3A_867 = tpu.memref_squeeze %dma_wait3A_866 : memref<1x128xi32, #tpu.memory_space<vmem>> -> memref<128xi32, #tpu.memory_space<vmem>>
    %dma_wait3A_868 = arith.constant 0 : i32
    %dma_wait3A_869 = tpu.memref_slice %arg7[%dma_wait3A_868] : memref<100000xf32, #tpu.memory_space<vmem_shared>> -> memref<100000xf32, #tpu.memory_space<vmem_shared>>
    tpu.wait_indirect_dma semaphore(%arg8 : memref<!tpu.dma_semaphore, #tpu.memory_space<semaphore_mem>>) src(%dma_wait3A_869 : memref<100000xf32, #tpu.memory_space<vmem_shared>>) dst(%dma_wait3A_864 : memref<128xf32, #tpu.memory_space<vmem>>)
    %dma_wait3A_870 = arith.constant 0 : i32
    %dma_wait3A_871 = tpu.memref_slice %arg6[%add3A_406, %dma_wait3A_870] : memref<50x128xf32, #tpu.memory_space<vmem>> -> memref<1x128xf32, #tpu.memory_space<vmem>>
    %dma_wait3A_872 = tpu.memref_squeeze %dma_wait3A_871 : memref<1x128xf32, #tpu.memory_space<vmem>> -> memref<128xf32, #tpu.memory_space<vmem>>
    %dma_wait3A_873 = arith.constant 0 : i32
    %dma_wait3A_874 = tpu.memref_slice %arg5[%add3A_404, %dma_wait3A_873] : memref<50x128xi32, #tpu.memory_space<vmem>> -> memref<1x128xi32, #tpu.memory_space<vmem>>
    %dma_wait3A_875 = tpu.memref_squeeze %dma_wait3A_874 : memref<1x128xi32, #tpu.memory_space<vmem>> -> memref<128xi32, #tpu.memory_space<vmem>>
    %dma_wait3A_876 = arith.constant 0 : i32
    %dma_wait3A_877 = tpu.memref_slice %arg7[%dma_wait3A_876] : memref<100000xf32, #tpu.memory_space<vmem_shared>> -> memref<100000xf32, #tpu.memory_space<vmem_shared>>
    tpu.wait_indirect_dma semaphore(%arg8 : memref<!tpu.dma_semaphore, #tpu.memory_space<semaphore_mem>>) src(%dma_wait3A_877 : memref<100000xf32, #tpu.memory_space<vmem_shared>>) dst(%dma_wait3A_872 : memref<128xf32, #tpu.memory_space<vmem>>)
    %dma_wait3A_878 = arith.constant 0 : i32
    %dma_wait3A_879 = tpu.memref_slice %arg6[%add3A_418, %dma_wait3A_878] : memref<50x128xf32, #tpu.memory_space<vmem>> -> memref<1x128xf32, #tpu.memory_space<vmem>>
    %dma_wait3A_880 = tpu.memref_squeeze %dma_wait3A_879 : memref<1x128xf32, #tpu.memory_space<vmem>> -> memref<128xf32, #tpu.memory_space<vmem>>
    %dma_wait3A_881 = arith.constant 0 : i32
    %dma_wait3A_882 = tpu.memref_slice %arg5[%add3A_416, %dma_wait3A_881] : memref<50x128xi32, #tpu.memory_space<vmem>> -> memref<1x128xi32, #tpu.memory_space<vmem>>
    %dma_wait3A_883 = tpu.memref_squeeze %dma_wait3A_882 : memref<1x128xi32, #tpu.memory_space<vmem>> -> memref<128xi32, #tpu.memory_space<vmem>>
    %dma_wait3A_884 = arith.constant 0 : i32
    %dma_wait3A_885 = tpu.memref_slice %arg7[%dma_wait3A_884] : memref<100000xf32, #tpu.memory_space<vmem_shared>> -> memref<100000xf32, #tpu.memory_space<vmem_shared>>
    tpu.wait_indirect_dma semaphore(%arg8 : memref<!tpu.dma_semaphore, #tpu.memory_space<semaphore_mem>>) src(%dma_wait3A_885 : memref<100000xf32, #tpu.memory_space<vmem_shared>>) dst(%dma_wait3A_880 : memref<128xf32, #tpu.memory_space<vmem>>)
    %dma_wait3A_886 = arith.constant 0 : i32
    %dma_wait3A_887 = tpu.memref_slice %arg6[%add3A_430, %dma_wait3A_886] : memref<50x128xf32, #tpu.memory_space<vmem>> -> memref<1x128xf32, #tpu.memory_space<vmem>>
    %dma_wait3A_888 = tpu.memref_squeeze %dma_wait3A_887 : memref<1x128xf32, #tpu.memory_space<vmem>> -> memref<128xf32, #tpu.memory_space<vmem>>
    %dma_wait3A_889 = arith.constant 0 : i32
    %dma_wait3A_890 = tpu.memref_slice %arg5[%add3A_428, %dma_wait3A_889] : memref<50x128xi32, #tpu.memory_space<vmem>> -> memref<1x128xi32, #tpu.memory_space<vmem>>
    %dma_wait3A_891 = tpu.memref_squeeze %dma_wait3A_890 : memref<1x128xi32, #tpu.memory_space<vmem>> -> memref<128xi32, #tpu.memory_space<vmem>>
    %dma_wait3A_892 = arith.constant 0 : i32
    %dma_wait3A_893 = tpu.memref_slice %arg7[%dma_wait3A_892] : memref<100000xf32, #tpu.memory_space<vmem_shared>> -> memref<100000xf32, #tpu.memory_space<vmem_shared>>
    tpu.wait_indirect_dma semaphore(%arg8 : memref<!tpu.dma_semaphore, #tpu.memory_space<semaphore_mem>>) src(%dma_wait3A_893 : memref<100000xf32, #tpu.memory_space<vmem_shared>>) dst(%dma_wait3A_888 : memref<128xf32, #tpu.memory_space<vmem>>)
    %dma_wait3A_894 = arith.constant 0 : i32
    %dma_wait3A_895 = tpu.memref_slice %arg6[%add3A_442, %dma_wait3A_894] : memref<50x128xf32, #tpu.memory_space<vmem>> -> memref<1x128xf32, #tpu.memory_space<vmem>>
    %dma_wait3A_896 = tpu.memref_squeeze %dma_wait3A_895 : memref<1x128xf32, #tpu.memory_space<vmem>> -> memref<128xf32, #tpu.memory_space<vmem>>
    %dma_wait3A_897 = arith.constant 0 : i32
    %dma_wait3A_898 = tpu.memref_slice %arg5[%add3A_440, %dma_wait3A_897] : memref<50x128xi32, #tpu.memory_space<vmem>> -> memref<1x128xi32, #tpu.memory_space<vmem>>
    %dma_wait3A_899 = tpu.memref_squeeze %dma_wait3A_898 : memref<1x128xi32, #tpu.memory_space<vmem>> -> memref<128xi32, #tpu.memory_space<vmem>>
    %dma_wait3A_900 = arith.constant 0 : i32
    %dma_wait3A_901 = tpu.memref_slice %arg7[%dma_wait3A_900] : memref<100000xf32, #tpu.memory_space<vmem_shared>> -> memref<100000xf32, #tpu.memory_space<vmem_shared>>
    tpu.wait_indirect_dma semaphore(%arg8 : memref<!tpu.dma_semaphore, #tpu.memory_space<semaphore_mem>>) src(%dma_wait3A_901 : memref<100000xf32, #tpu.memory_space<vmem_shared>>) dst(%dma_wait3A_896 : memref<128xf32, #tpu.memory_space<vmem>>)
    %dma_wait3A_902 = arith.constant 0 : i32
    %dma_wait3A_903 = tpu.memref_slice %arg6[%add3A_454, %dma_wait3A_902] : memref<50x128xf32, #tpu.memory_space<vmem>> -> memref<1x128xf32, #tpu.memory_space<vmem>>
    %dma_wait3A_904 = tpu.memref_squeeze %dma_wait3A_903 : memref<1x128xf32, #tpu.memory_space<vmem>> -> memref<128xf32, #tpu.memory_space<vmem>>
    %dma_wait3A_905 = arith.constant 0 : i32
    %dma_wait3A_906 = tpu.memref_slice %arg5[%add3A_452, %dma_wait3A_905] : memref<50x128xi32, #tpu.memory_space<vmem>> -> memref<1x128xi32, #tpu.memory_space<vmem>>
    %dma_wait3A_907 = tpu.memref_squeeze %dma_wait3A_906 : memref<1x128xi32, #tpu.memory_space<vmem>> -> memref<128xi32, #tpu.memory_space<vmem>>
    %dma_wait3A_908 = arith.constant 0 : i32
    %dma_wait3A_909 = tpu.memref_slice %arg7[%dma_wait3A_908] : memref<100000xf32, #tpu.memory_space<vmem_shared>> -> memref<100000xf32, #tpu.memory_space<vmem_shared>>
    tpu.wait_indirect_dma semaphore(%arg8 : memref<!tpu.dma_semaphore, #tpu.memory_space<semaphore_mem>>) src(%dma_wait3A_909 : memref<100000xf32, #tpu.memory_space<vmem_shared>>) dst(%dma_wait3A_904 : memref<128xf32, #tpu.memory_space<vmem>>)
    %dma_wait3A_910 = arith.constant 0 : i32
    %dma_wait3A_911 = tpu.memref_slice %arg6[%add3A_466, %dma_wait3A_910] : memref<50x128xf32, #tpu.memory_space<vmem>> -> memref<1x128xf32, #tpu.memory_space<vmem>>
    %dma_wait3A_912 = tpu.memref_squeeze %dma_wait3A_911 : memref<1x128xf32, #tpu.memory_space<vmem>> -> memref<128xf32, #tpu.memory_space<vmem>>
    %dma_wait3A_913 = arith.constant 0 : i32
    %dma_wait3A_914 = tpu.memref_slice %arg5[%add3A_464, %dma_wait3A_913] : memref<50x128xi32, #tpu.memory_space<vmem>> -> memref<1x128xi32, #tpu.memory_space<vmem>>
    %dma_wait3A_915 = tpu.memref_squeeze %dma_wait3A_914 : memref<1x128xi32, #tpu.memory_space<vmem>> -> memref<128xi32, #tpu.memory_space<vmem>>
    %dma_wait3A_916 = arith.constant 0 : i32
    %dma_wait3A_917 = tpu.memref_slice %arg7[%dma_wait3A_916] : memref<100000xf32, #tpu.memory_space<vmem_shared>> -> memref<100000xf32, #tpu.memory_space<vmem_shared>>
    tpu.wait_indirect_dma semaphore(%arg8 : memref<!tpu.dma_semaphore, #tpu.memory_space<semaphore_mem>>) src(%dma_wait3A_917 : memref<100000xf32, #tpu.memory_space<vmem_shared>>) dst(%dma_wait3A_912 : memref<128xf32, #tpu.memory_space<vmem>>)
    %dma_wait3A_918 = arith.constant 0 : i32
    %dma_wait3A_919 = tpu.memref_slice %arg6[%add3A_478, %dma_wait3A_918] : memref<50x128xf32, #tpu.memory_space<vmem>> -> memref<1x128xf32, #tpu.memory_space<vmem>>
    %dma_wait3A_920 = tpu.memref_squeeze %dma_wait3A_919 : memref<1x128xf32, #tpu.memory_space<vmem>> -> memref<128xf32, #tpu.memory_space<vmem>>
    %dma_wait3A_921 = arith.constant 0 : i32
    %dma_wait3A_922 = tpu.memref_slice %arg5[%add3A_476, %dma_wait3A_921] : memref<50x128xi32, #tpu.memory_space<vmem>> -> memref<1x128xi32, #tpu.memory_space<vmem>>
    %dma_wait3A_923 = tpu.memref_squeeze %dma_wait3A_922 : memref<1x128xi32, #tpu.memory_space<vmem>> -> memref<128xi32, #tpu.memory_space<vmem>>
    %dma_wait3A_924 = arith.constant 0 : i32
    %dma_wait3A_925 = tpu.memref_slice %arg7[%dma_wait3A_924] : memref<100000xf32, #tpu.memory_space<vmem_shared>> -> memref<100000xf32, #tpu.memory_space<vmem_shared>>
    tpu.wait_indirect_dma semaphore(%arg8 : memref<!tpu.dma_semaphore, #tpu.memory_space<semaphore_mem>>) src(%dma_wait3A_925 : memref<100000xf32, #tpu.memory_space<vmem_shared>>) dst(%dma_wait3A_920 : memref<128xf32, #tpu.memory_space<vmem>>)
    %dma_wait3A_926 = arith.constant 0 : i32
    %dma_wait3A_927 = tpu.memref_slice %arg6[%add3A_490, %dma_wait3A_926] : memref<50x128xf32, #tpu.memory_space<vmem>> -> memref<1x128xf32, #tpu.memory_space<vmem>>
    %dma_wait3A_928 = tpu.memref_squeeze %dma_wait3A_927 : memref<1x128xf32, #tpu.memory_space<vmem>> -> memref<128xf32, #tpu.memory_space<vmem>>
    %dma_wait3A_929 = arith.constant 0 : i32
    %dma_wait3A_930 = tpu.memref_slice %arg5[%add3A_488, %dma_wait3A_929] : memref<50x128xi32, #tpu.memory_space<vmem>> -> memref<1x128xi32, #tpu.memory_space<vmem>>
    %dma_wait3A_931 = tpu.memref_squeeze %dma_wait3A_930 : memref<1x128xi32, #tpu.memory_space<vmem>> -> memref<128xi32, #tpu.memory_space<vmem>>
    %dma_wait3A_932 = arith.constant 0 : i32
    %dma_wait3A_933 = tpu.memref_slice %arg7[%dma_wait3A_932] : memref<100000xf32, #tpu.memory_space<vmem_shared>> -> memref<100000xf32, #tpu.memory_space<vmem_shared>>
    tpu.wait_indirect_dma semaphore(%arg8 : memref<!tpu.dma_semaphore, #tpu.memory_space<semaphore_mem>>) src(%dma_wait3A_933 : memref<100000xf32, #tpu.memory_space<vmem_shared>>) dst(%dma_wait3A_928 : memref<128xf32, #tpu.memory_space<vmem>>)
    %dma_wait3A_934 = arith.constant 0 : i32
    %dma_wait3A_935 = tpu.memref_slice %arg6[%add3A_502, %dma_wait3A_934] : memref<50x128xf32, #tpu.memory_space<vmem>> -> memref<1x128xf32, #tpu.memory_space<vmem>>
    %dma_wait3A_936 = tpu.memref_squeeze %dma_wait3A_935 : memref<1x128xf32, #tpu.memory_space<vmem>> -> memref<128xf32, #tpu.memory_space<vmem>>
    %dma_wait3A_937 = arith.constant 0 : i32
    %dma_wait3A_938 = tpu.memref_slice %arg5[%add3A_500, %dma_wait3A_937] : memref<50x128xi32, #tpu.memory_space<vmem>> -> memref<1x128xi32, #tpu.memory_space<vmem>>
    %dma_wait3A_939 = tpu.memref_squeeze %dma_wait3A_938 : memref<1x128xi32, #tpu.memory_space<vmem>> -> memref<128xi32, #tpu.memory_space<vmem>>
    %dma_wait3A_940 = arith.constant 0 : i32
    %dma_wait3A_941 = tpu.memref_slice %arg7[%dma_wait3A_940] : memref<100000xf32, #tpu.memory_space<vmem_shared>> -> memref<100000xf32, #tpu.memory_space<vmem_shared>>
    tpu.wait_indirect_dma semaphore(%arg8 : memref<!tpu.dma_semaphore, #tpu.memory_space<semaphore_mem>>) src(%dma_wait3A_941 : memref<100000xf32, #tpu.memory_space<vmem_shared>>) dst(%dma_wait3A_936 : memref<128xf32, #tpu.memory_space<vmem>>)
    %dma_wait3A_942 = arith.constant 0 : i32
    %dma_wait3A_943 = tpu.memref_slice %arg6[%add3A_514, %dma_wait3A_942] : memref<50x128xf32, #tpu.memory_space<vmem>> -> memref<1x128xf32, #tpu.memory_space<vmem>>
    %dma_wait3A_944 = tpu.memref_squeeze %dma_wait3A_943 : memref<1x128xf32, #tpu.memory_space<vmem>> -> memref<128xf32, #tpu.memory_space<vmem>>
    %dma_wait3A_945 = arith.constant 0 : i32
    %dma_wait3A_946 = tpu.memref_slice %arg5[%add3A_512, %dma_wait3A_945] : memref<50x128xi32, #tpu.memory_space<vmem>> -> memref<1x128xi32, #tpu.memory_space<vmem>>
    %dma_wait3A_947 = tpu.memref_squeeze %dma_wait3A_946 : memref<1x128xi32, #tpu.memory_space<vmem>> -> memref<128xi32, #tpu.memory_space<vmem>>
    %dma_wait3A_948 = arith.constant 0 : i32
    %dma_wait3A_949 = tpu.memref_slice %arg7[%dma_wait3A_948] : memref<100000xf32, #tpu.memory_space<vmem_shared>> -> memref<100000xf32, #tpu.memory_space<vmem_shared>>
    tpu.wait_indirect_dma semaphore(%arg8 : memref<!tpu.dma_semaphore, #tpu.memory_space<semaphore_mem>>) src(%dma_wait3A_949 : memref<100000xf32, #tpu.memory_space<vmem_shared>>) dst(%dma_wait3A_944 : memref<128xf32, #tpu.memory_space<vmem>>)
    %dma_wait3A_950 = arith.constant 0 : i32
    %dma_wait3A_951 = tpu.memref_slice %arg6[%add3A_526, %dma_wait3A_950] : memref<50x128xf32, #tpu.memory_space<vmem>> -> memref<1x128xf32, #tpu.memory_space<vmem>>
    %dma_wait3A_952 = tpu.memref_squeeze %dma_wait3A_951 : memref<1x128xf32, #tpu.memory_space<vmem>> -> memref<128xf32, #tpu.memory_space<vmem>>
    %dma_wait3A_953 = arith.constant 0 : i32
    %dma_wait3A_954 = tpu.memref_slice %arg5[%add3A_524, %dma_wait3A_953] : memref<50x128xi32, #tpu.memory_space<vmem>> -> memref<1x128xi32, #tpu.memory_space<vmem>>
    %dma_wait3A_955 = tpu.memref_squeeze %dma_wait3A_954 : memref<1x128xi32, #tpu.memory_space<vmem>> -> memref<128xi32, #tpu.memory_space<vmem>>
    %dma_wait3A_956 = arith.constant 0 : i32
    %dma_wait3A_957 = tpu.memref_slice %arg7[%dma_wait3A_956] : memref<100000xf32, #tpu.memory_space<vmem_shared>> -> memref<100000xf32, #tpu.memory_space<vmem_shared>>
    tpu.wait_indirect_dma semaphore(%arg8 : memref<!tpu.dma_semaphore, #tpu.memory_space<semaphore_mem>>) src(%dma_wait3A_957 : memref<100000xf32, #tpu.memory_space<vmem_shared>>) dst(%dma_wait3A_952 : memref<128xf32, #tpu.memory_space<vmem>>)
    %dma_wait3A_958 = arith.constant 0 : i32
    %dma_wait3A_959 = tpu.memref_slice %arg6[%add3A_538, %dma_wait3A_958] : memref<50x128xf32, #tpu.memory_space<vmem>> -> memref<1x128xf32, #tpu.memory_space<vmem>>
    %dma_wait3A_960 = tpu.memref_squeeze %dma_wait3A_959 : memref<1x128xf32, #tpu.memory_space<vmem>> -> memref<128xf32, #tpu.memory_space<vmem>>
    %dma_wait3A_961 = arith.constant 0 : i32
    %dma_wait3A_962 = tpu.memref_slice %arg5[%add3A_536, %dma_wait3A_961] : memref<50x128xi32, #tpu.memory_space<vmem>> -> memref<1x128xi32, #tpu.memory_space<vmem>>
    %dma_wait3A_963 = tpu.memref_squeeze %dma_wait3A_962 : memref<1x128xi32, #tpu.memory_space<vmem>> -> memref<128xi32, #tpu.memory_space<vmem>>
    %dma_wait3A_964 = arith.constant 0 : i32
    %dma_wait3A_965 = tpu.memref_slice %arg7[%dma_wait3A_964] : memref<100000xf32, #tpu.memory_space<vmem_shared>> -> memref<100000xf32, #tpu.memory_space<vmem_shared>>
    tpu.wait_indirect_dma semaphore(%arg8 : memref<!tpu.dma_semaphore, #tpu.memory_space<semaphore_mem>>) src(%dma_wait3A_965 : memref<100000xf32, #tpu.memory_space<vmem_shared>>) dst(%dma_wait3A_960 : memref<128xf32, #tpu.memory_space<vmem>>)
    %dma_wait3A_966 = arith.constant 0 : i32
    %dma_wait3A_967 = tpu.memref_slice %arg6[%add3A_550, %dma_wait3A_966] : memref<50x128xf32, #tpu.memory_space<vmem>> -> memref<1x128xf32, #tpu.memory_space<vmem>>
    %dma_wait3A_968 = tpu.memref_squeeze %dma_wait3A_967 : memref<1x128xf32, #tpu.memory_space<vmem>> -> memref<128xf32, #tpu.memory_space<vmem>>
    %dma_wait3A_969 = arith.constant 0 : i32
    %dma_wait3A_970 = tpu.memref_slice %arg5[%add3A_548, %dma_wait3A_969] : memref<50x128xi32, #tpu.memory_space<vmem>> -> memref<1x128xi32, #tpu.memory_space<vmem>>
    %dma_wait3A_971 = tpu.memref_squeeze %dma_wait3A_970 : memref<1x128xi32, #tpu.memory_space<vmem>> -> memref<128xi32, #tpu.memory_space<vmem>>
    %dma_wait3A_972 = arith.constant 0 : i32
    %dma_wait3A_973 = tpu.memref_slice %arg7[%dma_wait3A_972] : memref<100000xf32, #tpu.memory_space<vmem_shared>> -> memref<100000xf32, #tpu.memory_space<vmem_shared>>
    tpu.wait_indirect_dma semaphore(%arg8 : memref<!tpu.dma_semaphore, #tpu.memory_space<semaphore_mem>>) src(%dma_wait3A_973 : memref<100000xf32, #tpu.memory_space<vmem_shared>>) dst(%dma_wait3A_968 : memref<128xf32, #tpu.memory_space<vmem>>)
    %dma_wait3A_974 = arith.constant 0 : i32
    %dma_wait3A_975 = tpu.memref_slice %arg6[%add3A_562, %dma_wait3A_974] : memref<50x128xf32, #tpu.memory_space<vmem>> -> memref<1x128xf32, #tpu.memory_space<vmem>>
    %dma_wait3A_976 = tpu.memref_squeeze %dma_wait3A_975 : memref<1x128xf32, #tpu.memory_space<vmem>> -> memref<128xf32, #tpu.memory_space<vmem>>
    %dma_wait3A_977 = arith.constant 0 : i32
    %dma_wait3A_978 = tpu.memref_slice %arg5[%add3A_560, %dma_wait3A_977] : memref<50x128xi32, #tpu.memory_space<vmem>> -> memref<1x128xi32, #tpu.memory_space<vmem>>
    %dma_wait3A_979 = tpu.memref_squeeze %dma_wait3A_978 : memref<1x128xi32, #tpu.memory_space<vmem>> -> memref<128xi32, #tpu.memory_space<vmem>>
    %dma_wait3A_980 = arith.constant 0 : i32
    %dma_wait3A_981 = tpu.memref_slice %arg7[%dma_wait3A_980] : memref<100000xf32, #tpu.memory_space<vmem_shared>> -> memref<100000xf32, #tpu.memory_space<vmem_shared>>
    tpu.wait_indirect_dma semaphore(%arg8 : memref<!tpu.dma_semaphore, #tpu.memory_space<semaphore_mem>>) src(%dma_wait3A_981 : memref<100000xf32, #tpu.memory_space<vmem_shared>>) dst(%dma_wait3A_976 : memref<128xf32, #tpu.memory_space<vmem>>)
    %dma_wait3A_982 = arith.constant 0 : i32
    %dma_wait3A_983 = tpu.memref_slice %arg6[%add3A_574, %dma_wait3A_982] : memref<50x128xf32, #tpu.memory_space<vmem>> -> memref<1x128xf32, #tpu.memory_space<vmem>>
    %dma_wait3A_984 = tpu.memref_squeeze %dma_wait3A_983 : memref<1x128xf32, #tpu.memory_space<vmem>> -> memref<128xf32, #tpu.memory_space<vmem>>
    %dma_wait3A_985 = arith.constant 0 : i32
    %dma_wait3A_986 = tpu.memref_slice %arg5[%add3A_572, %dma_wait3A_985] : memref<50x128xi32, #tpu.memory_space<vmem>> -> memref<1x128xi32, #tpu.memory_space<vmem>>
    %dma_wait3A_987 = tpu.memref_squeeze %dma_wait3A_986 : memref<1x128xi32, #tpu.memory_space<vmem>> -> memref<128xi32, #tpu.memory_space<vmem>>
    %dma_wait3A_988 = arith.constant 0 : i32
    %dma_wait3A_989 = tpu.memref_slice %arg7[%dma_wait3A_988] : memref<100000xf32, #tpu.memory_space<vmem_shared>> -> memref<100000xf32, #tpu.memory_space<vmem_shared>>
    tpu.wait_indirect_dma semaphore(%arg8 : memref<!tpu.dma_semaphore, #tpu.memory_space<semaphore_mem>>) src(%dma_wait3A_989 : memref<100000xf32, #tpu.memory_space<vmem_shared>>) dst(%dma_wait3A_984 : memref<128xf32, #tpu.memory_space<vmem>>)
    %dma_wait3A_990 = arith.constant 0 : i32
    %dma_wait3A_991 = tpu.memref_slice %arg6[%add3A_586, %dma_wait3A_990] : memref<50x128xf32, #tpu.memory_space<vmem>> -> memref<1x128xf32, #tpu.memory_space<vmem>>
    %dma_wait3A_992 = tpu.memref_squeeze %dma_wait3A_991 : memref<1x128xf32, #tpu.memory_space<vmem>> -> memref<128xf32, #tpu.memory_space<vmem>>
    %dma_wait3A_993 = arith.constant 0 : i32
    %dma_wait3A_994 = tpu.memref_slice %arg5[%add3A_584, %dma_wait3A_993] : memref<50x128xi32, #tpu.memory_space<vmem>> -> memref<1x128xi32, #tpu.memory_space<vmem>>
    %dma_wait3A_995 = tpu.memref_squeeze %dma_wait3A_994 : memref<1x128xi32, #tpu.memory_space<vmem>> -> memref<128xi32, #tpu.memory_space<vmem>>
    %dma_wait3A_996 = arith.constant 0 : i32
    %dma_wait3A_997 = tpu.memref_slice %arg7[%dma_wait3A_996] : memref<100000xf32, #tpu.memory_space<vmem_shared>> -> memref<100000xf32, #tpu.memory_space<vmem_shared>>
    tpu.wait_indirect_dma semaphore(%arg8 : memref<!tpu.dma_semaphore, #tpu.memory_space<semaphore_mem>>) src(%dma_wait3A_997 : memref<100000xf32, #tpu.memory_space<vmem_shared>>) dst(%dma_wait3A_992 : memref<128xf32, #tpu.memory_space<vmem>>)
    %dma_wait3A_998 = arith.constant 0 : i32
    %dma_wait3A_999 = tpu.memref_slice %arg6[%add3A_598, %dma_wait3A_998] : memref<50x128xf32, #tpu.memory_space<vmem>> -> memref<1x128xf32, #tpu.memory_space<vmem>>
    %dma_wait3A_1000 = tpu.memref_squeeze %dma_wait3A_999 : memref<1x128xf32, #tpu.memory_space<vmem>> -> memref<128xf32, #tpu.memory_space<vmem>>
    %dma_wait3A_1001 = arith.constant 0 : i32
    %dma_wait3A_1002 = tpu.memref_slice %arg5[%add3A_596, %dma_wait3A_1001] : memref<50x128xi32, #tpu.memory_space<vmem>> -> memref<1x128xi32, #tpu.memory_space<vmem>>
    %dma_wait3A_1003 = tpu.memref_squeeze %dma_wait3A_1002 : memref<1x128xi32, #tpu.memory_space<vmem>> -> memref<128xi32, #tpu.memory_space<vmem>>
    %dma_wait3A_1004 = arith.constant 0 : i32
    %dma_wait3A_1005 = tpu.memref_slice %arg7[%dma_wait3A_1004] : memref<100000xf32, #tpu.memory_space<vmem_shared>> -> memref<100000xf32, #tpu.memory_space<vmem_shared>>
    tpu.wait_indirect_dma semaphore(%arg8 : memref<!tpu.dma_semaphore, #tpu.memory_space<semaphore_mem>>) src(%dma_wait3A_1005 : memref<100000xf32, #tpu.memory_space<vmem_shared>>) dst(%dma_wait3A_1000 : memref<128xf32, #tpu.memory_space<vmem>>)
    %scan3A_1006 = arith.constant 1 : i32
    "tpu.region"() ({
      %run_scoped3A = tpu.sem_alloc : memref<!tpu.dma_semaphore, #tpu.memory_space<semaphore_mem>>
      %dma_start3A_1007 = arith.constant 0 : i32
      %dma_start3A_1008 = tpu.memref_slice %arg4[%dma_start3A_1007, %mul3A_2] : memref<50x4096xf32, #tpu.memory_space<hbm>> -> memref<50x128xf32, #tpu.memory_space<hbm>>
      %dma_start3A_1009 = arith.constant 0 : i32
      %dma_start3A_1010 = tpu.memref_slice %arg4[%dma_start3A_1009, %mul3A_2] : memref<50x4096xf32, #tpu.memory_space<hbm>> -> memref<50x128xf32, #tpu.memory_space<hbm>>
      tpu.enqueue_dma source(%arg6 : memref<50x128xf32, #tpu.memory_space<vmem>>) target(%dma_start3A_1010 : memref<50x128xf32, #tpu.memory_space<hbm>>) target_semaphore(%run_scoped3A : memref<!tpu.dma_semaphore, #tpu.memory_space<semaphore_mem>>)
      %dma_wait3A_1011 = arith.constant 0 : i32
      %dma_wait3A_1012 = tpu.memref_slice %arg4[%dma_wait3A_1011, %mul3A_2] : memref<50x4096xf32, #tpu.memory_space<hbm>> -> memref<50x128xf32, #tpu.memory_space<hbm>>
      %dma_wait3A_1013 = arith.constant 0 : i32
      %dma_wait3A_1014 = tpu.memref_slice %arg4[%dma_wait3A_1013, %mul3A_2] : memref<50x4096xf32, #tpu.memory_space<hbm>> -> memref<50x128xf32, #tpu.memory_space<hbm>>
      tpu.wait_dma2 semaphore(%run_scoped3A : memref<!tpu.dma_semaphore, #tpu.memory_space<semaphore_mem>>) src(%arg6 : memref<50x128xf32, #tpu.memory_space<vmem>>) dst(%dma_wait3A_1014 : memref<50x128xf32, #tpu.memory_space<hbm>>)
      tpu.yield
    }) : () -> ()
    return
  }
}

</mosaic_0001>

<sc_bundles>
// kernel: kernel.3.cloned.1.call-start
scs
__scs_entry_jumppad:
0x0: {  	(pc) =	sbr.rel $0x88, $3  }
0x1: {  	(tag) =	ssettag $0x0;
	lr =	simm.s32 $0x1  }
0x2: {  	[smem:$0x3F9F] =	sst lr;
	_ =	strace $0xD0000000  }
0x3: {  	_ = 	snop  }
0x4: {  	_ = 	snop  }
0x5: {  	_ = 	snop  }
0x6: {  	_ = 	snop  }
0x7: {  	_ = 	snop  }
__scs_overlays_trampoline_lowered:
0x8: {  	[smem:$0x3FAE] =	sst s0  }
0x9: {  	[smem:$0x3FAF] =	sst s1  }
0xa: {  	[smem:$0x3FB0] =	sst s2  }
0xb: {  	[smem:$0x3FB1] =	sst s3  }
0xc: {  	[smem:$0x3FB2] =	sst s4  }
0xd: {  	[smem:$0x3FB3] =	sst s5  }
0xe: {  	[smem:$0x3FB4] =	sst s6  }
0xf: {  	[smem:$0x3FB5] =	sst s7  }
0x10: {  	[smem:$0x3FB6] =	sst s8  }
0x11: {  	[smem:$0x3FB7] =	sst s9;
	s0 =	simm.s32 @!p0 $0x0  }
0x12: {  	s1 =	sld [smem:$0x3F9D];
	s0 =	simm.s32 @p0 $0x1  }
0x13: {  	[smem:$0x3FB8] =	sst s0;
	s0 =	simm.s32 @!p1 $0x0  }
0x14: {  	s2 =	sld [smem:$0x3F9C];
	s0 =	simm.s32 @p1 $0x1  }
0x15: {  	[smem:$0x3FB9] =	sst s0;
	s0 =	simm.s32 @!p2 $0x0  }
0x16: {  	s3 =	sld [smem:$0x3FDB];
	s0 =	simm.s32 @p2 $0x1  }
0x17: {  	s4 =	simm.s32 $0x1BF5;
	[smem:$0x3FBB] =	sst s0  }
0x18: {  	s0 =	sld [smem:$0x3F9E];
	_ =	swait.ge [sflag:s4], $0x0  }
0x19: {  	s7 =	sld [smem:$0x3F9F]  }
0x1a: {  	s8 =	sadd.s32 $0xFFFFE003, lr  }
0x1b: {  	s9 =	sadd.s32 $0xFFFFFEF7, lr;
	s5 =	simm.s32 $0xFFFFFFFF;
	p2 =	slt.u32 s8, $0xFFFFF086  }
0x1c: {  	p1 =	slt.u32 s9, $0xF7A;
	s5 =	simm.s32 @!p2 $0x0  }
0x1d: {  	s5 =	simm.s32 @p1 $0x1;
	p0 =	seq.s32 s7, s2  }
0x1e: {  	s7 =	smul.u32 @!p0 $0xF7A, s2;
	p2 =	seq.s32 @!p0 s5, $0x0  }
0x1f: {  	s9 =	smul.u32 $0xF7A, s1;
	s8 =	simm.s32 @!p0 $0x1BF5;
	p2 =	por !p2, p0  }
0x20: {  	[sflag:s8] =	ssyncset.s32 @!p0 $0xFFFFF086;
	s6 =	sadd.s32 @!p0 s3, s7;
	s7 =	simm.s32 @!p0 $0x108  }
0x21: {  	s3 =	sadd.s32 s3, s9;
	s6 =	sadd.s32 @!p0 $0x88, s6;
	s7 =	simm.s32 @p2 $0x1082  }
0x22: {  	[simem:s7], [sflag:s8] =	dma.local @!p0 [hbm:s6], $0xF7A  }
0x23: {  	s9 =	sor.u32 $0xD0000000, s2;
	s6 =	simm.s32 $0x108;
	_ =	swait.ge @!p0 [sflag:s8], $0x0  }
0x24: {  	s3 =	sadd.s32 $0x88, s3;
	s6 =	simm.s32 @!p1 $0x1082;
	[sflag:s4] =	ssyncset.s32 $0xFFFFF086  }
0x25: {  	[simem:s6], [sflag:s4] =	dma.local [hbm:s3], $0xF7A  }
0x26: {  	[smem:$0x3F9F] =	sst s1;
	(tag) =	ssettag s2;
	_ =	strace s9  }
0x27: {  	s1 =	sld [smem:$0x3FAF]  }
0x28: {  	s2 =	sld [smem:$0x3FB0]  }
0x29: {  	s4 =	sld [smem:$0x3FB2]  }
0x2a: {  	p0 =	seq.s32 s5, $0x0;
	s5 =	sld [smem:$0x3FB3]  }
0x2b: {  	s6 =	sld [smem:$0x3FB4]  }
0x2c: {  	s7 =	sld [smem:$0x3FB5]  }
0x2d: {  	s3 =	simm.s32 $0x108;
	s8 =	sld [smem:$0x3FB6]  }
0x2e: {  	s3 =	simm.s32 @!p0 $0x1082;
	s9 =	sld [smem:$0x3FB7]  }
0x2f: {  	lr =	sadd.s32 s0, s3;
	s0 =	sld [smem:$0x3FAE]  }
0x30: {  	s3 =	sld [smem:$0x3FB1]  }
0x31: {  	[smem:$0x3FBA] =	sst s10  }
0x32: {  	s10 =	sld [smem:$0x3FB8];
	_ =	sdelay $0x3  }
0x33: {  	p0 =	seq.s32 s10, $0x1;
	s10 =	sld [smem:$0x3FBA];
	_ =	sdelay $0x3  }
0x34: {  	[smem:$0x3FBA] =	sst s10  }
0x35: {  	s10 =	sld [smem:$0x3FB9];
	_ =	sdelay $0x3  }
0x36: {  	p1 =	seq.s32 s10, $0x1;
	s10 =	sld [smem:$0x3FBA];
	_ =	sdelay $0x3  }
0x37: {  	[smem:$0x3FBA] =	sst s10  }
0x38: {  	s10 =	sld [smem:$0x3FBB]  }
0x39: {  	_ = 	snop;
	(pc) =	sbr.ind lr, $3  }
0x3a: {  	_ = 	snop  }
0x3b: {  	_ = 	snop  }
0x3c: {  	p2 =	seq.s32 s10, $0x1;
	s10 =	sld [smem:$0x3FBA]  }
0x3d: {  	_ =	shalt  }
0x3e: {  	_ =	shalt  }
0x3f: {  	_ =	shalt  }
0x40: {  	_ =	shalt  }
0x41: {  	_ =	shalt  }
0x42: {  	_ =	shalt  }
0x43: {  	_ =	shalt  }
0x44: {  	_ =	shalt  }
0x45: {  	_ =	shalt  }
0x46: {  	_ =	shalt  }
0x47: {  	_ =	shalt  }
0x48: {  	_ =	shalt  }
0x49: {  	_ =	shalt  }
0x4a: {  	_ =	shalt  }
0x4b: {  	_ =	shalt  }
0x4c: {  	_ =	shalt  }
0x4d: {  	_ =	shalt  }
0x4e: {  	_ =	shalt  }
0x4f: {  	_ =	shalt  }
0x50: {  	_ =	shalt  }
0x51: {  	_ =	shalt  }
0x52: {  	_ =	shalt  }
0x53: {  	_ =	shalt  }
0x54: {  	_ =	shalt  }
0x55: {  	_ =	shalt  }
0x56: {  	_ =	shalt  }
0x57: {  	_ =	shalt  }
0x58: {  	_ =	shalt  }
0x59: {  	_ =	shalt  }
0x5a: {  	_ =	shalt  }
0x5b: {  	_ =	shalt  }
0x5c: {  	_ =	shalt  }
0x5d: {  	_ =	shalt  }
0x5e: {  	_ =	shalt  }
0x5f: {  	_ =	shalt  }
0x60: {  	_ =	shalt  }
0x61: {  	_ =	shalt  }
0x62: {  	_ =	shalt  }
0x63: {  	_ =	shalt  }
0x64: {  	_ =	shalt  }
0x65: {  	_ =	shalt  }
0x66: {  	_ =	shalt  }
0x67: {  	_ =	shalt  }
0x68: {  	_ =	shalt  }
0x69: {  	_ =	shalt  }
0x6a: {  	_ =	shalt  }
0x6b: {  	_ =	shalt  }
0x6c: {  	_ =	shalt  }
0x6d: {  	_ =	shalt  }
0x6e: {  	_ =	shalt  }
0x6f: {  	_ =	shalt  }
0x70: {  	_ =	shalt  }
0x71: {  	_ =	shalt  }
0x72: {  	_ =	shalt  }
0x73: {  	_ =	shalt  }
0x74: {  	_ =	shalt  }
0x75: {  	_ =	shalt  }
0x76: {  	_ =	shalt  }
0x77: {  	_ =	shalt  }
0x78: {  	_ =	shalt  }
0x79: {  	_ =	shalt  }
0x7a: {  	_ =	shalt  }
0x7b: {  	_ =	shalt  }
0x7c: {  	_ =	shalt  }
0x7d: {  	_ =	shalt  }
0x7e: {  	_ =	shalt  }
0x7f: {  	_ =	shalt  }
0x80: {  	_ =	shalt  }
0x81: {  	_ =	shalt  }
0x82: {  	_ =	shalt  }
0x83: {  	_ =	shalt  }
0x84: {  	_ =	shalt  }
0x85: {  	_ =	shalt  }
0x86: {  	_ =	shalt  }
0x87: {  	_ =	shalt  }
.Lfunc_end0:
.L_simem_size_0:
called_computation_lowered:
.L_overlay_start_0:
0x88: {  	s2 =	sld [smem:$0x3FD9]  }
0x89: {  	s3 =	sld [smem:$0x3FFE];
	_ =	sdelay $0x1  }
0x8a: {  	s1 =	srdreg.scid  }
0x8b: {  	s0 =	sand.u32 $0x1, s1  }
0x8c: {  	s17 =	sshll.u32 s0, $0xA;
	s2 =	sadd.s32 s3, s2  }
0x8d: {  	s2 =	sadd.s32 s2, s17  }
0x8e: {  	[smem:$0x3FC6] =	sst s2  }
0x8f: {  	_ = 	snop  }
0x90: {  	s2 =	sld [smem:$0x3FC9]  }
0x91: {  	s18 =	sld [smem:$0x3FD0];
	(tm) =	ssettm $0x1  }
0x92: {  	s4 =	sld [smem:$0x3FFB];
	_ =	sdelay $0x3  }
0x93: {  	_ =	strace s4  }
0x94: {  	s4 =	sld [smem:$0x3FFC];
	_ =	sdelay $0x3  }
0x95: {  	_ =	strace s4  }
0x96: {  	s4 =	sld [smem:$0x3FFD];
	_ =	sdelay $0x3  }
0x97: {  	_ =	strace s4  }
0x98: {  	_ =	strace $0x8FFFFFFF  }
0x99: {  	s19 =	sld [smem:$0x3FDB];
	_ =	sdelay $0x1  }
0x9a: {  	s5 =	simm.s32 $_scs_section_size  }
0x9b: {  	s6 =	simm.s32 $_size__tile_overlayer_lowered;
	s7 =	simm.s32 $_tile_overlayer_lowered  }
0x9c: {  	s22 =	simm.s32 $0x1BFF;
	s21 =	sshll.u32 s7, $0x1;
	s4 =	sadd.s32 s5, s19  }
0x9d: {  	s8 =	simm.s32 $0x0;
	s20 =	sshll.u32 s6, $0x1;
	s6 =	sadd.s32 s21, s4  }
0x9e: {  	[timem:s8], [sflag:s22] =	dma.local [hbm:s6], s20  }
0x9f: {  	_ =	swait.ge [sflag:s22], s20  }
0xa0: {  	s5 =	ssub.s32 $0x0, s20;
	[sflag:s22] =	ssyncset.done $0x0  }
0xa1: {  	[sflag:s22] =	ssyncadd.s32 s5;
	_ =	sdelay $0x1  }
0xa2: {  	s23 =	simm.s32 $0x1B8B  }
0xa3: {  	_ =	swait.ge [sflag:s23], $0x1  }
0xa4: {  	[sflag:s23] =	ssyncset.done $0x0  }
0xa5: {  	s25 =	simm.s32 $0x1B8E;
	s24 =	sld [smem:$0x3FFE];
	[sflag:s23] =	ssyncadd.s32 $0xFFFFFFFF  }
0xa6: {  	s26 =	simm.s32 $execute0_lowered;
	[smem:$0x3FD2] =	sst s25  }
0xa7: {  	s6 =	sshll.u32 s26, $0x1;
	_ =	strace $0x80000046;
	[dreg:$0x1] =	wrdreg $0xFFFFFFFF  }
0xa8: {  	s28 =	simm.s32 $_size_execute0_lowered;
	s4 =	sadd.s32 s4, s6;
	[dreg:$0x0] =	wrdreg $0x0  }
0xa9: {  	s6 =	sshll.u32 s28, $0x1;
	[dreg:$0x2] =	wrdreg s4  }
0xaa: {  	[dreg:$0x3] =	wrdreg s6  }
0xab: {  	[dreg:$0x4] =	wrdreg $0xC0  }
0xac: {  	_ =	task [dreg:s8], $0x5FFFF  }
0xad: {  	[dreg:$0x1] =	wrdreg $0xFFFFFFFF  }
0xae: {  	[dreg:$0x0] =	wrdreg $0x60  }
0xaf: {  	[dreg:$0x2] =	wrdreg s2  }
0xb0: {  	[dreg:$0x3] =	wrdreg s18  }
0xb1: {  	[dreg:$0x4] =	wrdreg s24  }
0xb2: {  	[dreg:$0x5] =	wrdreg $0x38000  }
0xb3: {  	[dreg:$0x6] =	wrdreg $0x9  }
0xb4: {  	_ =	task.clear_ibuf [dreg:s8], $0x7FFFF;
	_ =	strace $0x90000046  }
0xb5: {  	s29 =	simm.s32 $0x9;
	_ =	strace $0x80000048  }
0xb6: {  	_ =	swait.ge [sflag:s29], $0x1  }
0xb7: {  	[sflag:s29] =	ssyncadd.s32 $0xFFFFFFFF  }
0xb8: {  	_ =	strace $0x90000048  }
0xb9: {  	_ =	sfence  }
0xba: {  	s30 =	sld [smem:$0x0];
	_ =	sdelay $0x2  }
0xbb: {  	s31 =	sshll.u32 s1, $0xD;
	s1 =	sshrl.u32 s1, $0x2  }
0xbc: {  	s3 =	sand.u32 $0x4000, s31;
	s1 =	sadd.s32 s1, s30  }
0xbd: {  	s0 =	sor.u32 s3, s0;
	s1 =	sshll.u32 s1, $0x11  }
0xbe: {  	s0 =	sor.u32 s1, s0  }
0xbf: {  	s0 =	sadd.s32 $0x8F2B, s0  }
0xc0: {  	[sflag:s0] =	ssyncadd.remote.s32 $0x1  }
0xc1: {  	_ =	sfence.sel $0xFFFF  }
0xc2: {  	[dreg:$0x0] =	wrdreg $0xFFFFFFFF;
	(pc) =	sbr.abs _section_cstart, $3  }
0xc3: {  	[dreg:$0x1] =	wrdreg $0xFFFFFFFF  }
0xc4: {  	_ =	task.clear_ibuf [dreg:s8], $0x2FFFF;
	_ =	strace $0x9FFFFFFF  }
0xc5: {  	(tm) =	ssettm $0x7FFFFFFF  }
tec
execute0_lowered:
.L_overlay_start_1:
0x0: {  	(tag) =	ssettag $0x1  }
0x1: {  	s3 =	rddreg [dreg:$0x0]  }
0x2: {  	s0 =	rddreg [dreg:$0x1]  }
0x3: {  	s4 =	rddreg [dreg:$0x2]  }
0x4: {  	s1 =	rddreg [dreg:$0x3];
	s2 =	srdreg.scid  }
0x5: {  	s7 =	stileid.u32;
	[dreg:$0x5] =	wrdreg s0  }
0x6: {  	s6 =	sand.u32 $0x1, s2;
	s2 =	simm.s32 $0x0;
	p0 =	sne.s32 s7, $0x0  }
0x7: {  	s5 =	sshll.u32 s7, $0x8;
	[smem:$0x7FF] =	sst s2;
	s7 =	sshrl.u32 @!p0 s1, $0x3  }
0x8: {  	s22 =	simm.s32 $0x1C80;
	_ =	strace $0x80000047;
	[dreg:$0x6] =	wrdreg s7  }
0x9: {  	s23 =	simm.s32 $0x100;
	[dreg:$0x8] =	wrdreg s22  }
0xa: {  	s24 =	simm.s32 $0x1D00;
	[dreg:$0x9] =	wrdreg s23  }
0xb: {  	s25 =	simm.s32 $0x180;
	[dreg:$0xa] =	wrdreg s24  }
0xc: {  	s26 =	simm.s32 $0x1D80;
	[dreg:$0xb] =	wrdreg s25  }
0xd: {  	s29 =	simm.s32 $0x200;
	[dreg:$0xc] =	wrdreg s26  }
0xe: {  	s30 =	simm.s32 $0x1E00;
	[dreg:$0xd] =	wrdreg s29  }
0xf: {  	s31 =	simm.s32 $0x280;
	[dreg:$0xe] =	wrdreg s30  }
0x10: {  	s0 =	simm.s32 $0x1E80;
	[dreg:$0xf] =	wrdreg s31  }
0x11: {  	s9 =	simm.s32 $0x1F00;
	[dreg:$0x10] =	wrdreg s0  }
0x12: {  	s10 =	simm.s32 $0x380;
	[dreg:$0x12] =	wrdreg s9  }
0x13: {  	s11 =	simm.s32 $0x1F80;
	[dreg:$0x13] =	wrdreg s10  }
0x14: {  	s12 =	simm.s32 $0x2000;
	[dreg:$0x14] =	wrdreg s11  }
0x15: {  	s13 =	simm.s32 $0x480;
	[dreg:$0x15] =	wrdreg s12  }
0x16: {  	s14 =	simm.s32 $0x2080;
	[dreg:$0x16] =	wrdreg s13  }
0x17: {  	s15 =	simm.s32 $0x500;
	[dreg:$0x17] =	wrdreg s14  }
0x18: {  	s16 =	simm.s32 $0x2100;
	[dreg:$0x18] =	wrdreg s15  }
0x19: {  	s17 =	simm.s32 $0x580;
	[dreg:$0x19] =	wrdreg s16  }
0x1a: {  	s18 =	simm.s32 $0x2180;
	[dreg:$0x1a] =	wrdreg s17  }
0x1b: {  	s19 =	simm.s32 $0x600;
	[dreg:$0x1b] =	wrdreg s18  }
0x1c: {  	s20 =	simm.s32 $0x2200;
	s8 =	sshll.u32 s6, $0x7;
	[dreg:$0x1c] =	wrdreg s19  }
0x1d: {  	s5 =	sor.u32 s8, s5;
	s8 =	simm.s32 $0x300;
	[dreg:$0x1d] =	wrdreg s20  }
0x1e: {  	s22 =	simm.s32 $0x2280;
	[dreg:$0x11] =	wrdreg s8  }
0x1f: {  	s23 =	simm.s32 $0x700;
	[dreg:$0x1f] =	wrdreg s22  }
0x20: {  	s24 =	simm.s32 $0x2300;
	[smem:$0x7C6] =	sst s23  }
0x21: {  	s25 =	simm.s32 $0x780;
	[smem:$0x7C7] =	sst s24  }
0x22: {  	s26 =	simm.s32 $0x2380;
	[smem:$0x7C8] =	sst s25  }
0x23: {  	s29 =	simm.s32 $0x800;
	[smem:$0x7C9] =	sst s26  }
0x24: {  	s30 =	simm.s32 $0x2400;
	[smem:$0x7CA] =	sst s29  }
0x25: {  	s31 =	simm.s32 $0x880;
	[smem:$0x7CB] =	sst s30  }
0x26: {  	s0 =	simm.s32 $0x2480;
	[smem:$0x7CC] =	sst s31  }
0x27: {  	s9 =	simm.s32 $0x2500;
	[smem:$0x7CD] =	sst s0  }
0x28: {  	s10 =	simm.s32 $0x980;
	[smem:$0x7CF] =	sst s9  }
0x29: {  	s11 =	simm.s32 $0x2580;
	[smem:$0x7D0] =	sst s10  }
0x2a: {  	s12 =	simm.s32 $0xA00;
	[smem:$0x7D1] =	sst s11  }
0x2b: {  	s13 =	simm.s32 $0x2600;
	[smem:$0x7D2] =	sst s12  }
0x2c: {  	s14 =	simm.s32 $0xA80;
	[smem:$0x7D3] =	sst s13  }
0x2d: {  	s15 =	simm.s32 $0x2680;
	[smem:$0x7D4] =	sst s14  }
0x2e: {  	s16 =	simm.s32 $0xB00;
	[smem:$0x7D5] =	sst s15  }
0x2f: {  	s17 =	simm.s32 $0x2700;
	[smem:$0x7D6] =	sst s16  }
0x30: {  	s18 =	simm.s32 $0xB80;
	[smem:$0x7D7] =	sst s17  }
0x31: {  	s19 =	simm.s32 $0x2780;
	[smem:$0x7D8] =	sst s18  }
0x32: {  	s20 =	simm.s32 $0xC00;
	[smem:$0x7D9] =	sst s19  }
0x33: {  	s8 =	simm.s32 $0x900;
	[smem:$0x7DA] =	sst s20  }
0x34: {  	s22 =	simm.s32 $0xC80;
	[smem:$0x7CE] =	sst s8  }
0x35: {  	s23 =	simm.s32 $0x2880;
	[smem:$0x7DC] =	sst s22  }
0x36: {  	s24 =	simm.s32 $0xD00;
	[smem:$0x7DD] =	sst s23  }
0x37: {  	s25 =	simm.s32 $0x2900;
	[smem:$0x7DE] =	sst s24  }
0x38: {  	s26 =	simm.s32 $0xD80;
	[smem:$0x7DF] =	sst s25  }
0x39: {  	s29 =	simm.s32 $0x2980;
	[smem:$0x7E0] =	sst s26  }
0x3a: {  	s30 =	simm.s32 $0xE00;
	[smem:$0x7E1] =	sst s29  }
0x3b: {  	s31 =	simm.s32 $0x2A00;
	[smem:$0x7E2] =	sst s30  }
0x3c: {  	s0 =	simm.s32 $0xE80;
	[smem:$0x7E3] =	sst s31  }
0x3d: {  	s9 =	simm.s32 $0xF00;
	[smem:$0x7E4] =	sst s0  }
0x3e: {  	s10 =	simm.s32 $0x2B00;
	[smem:$0x7E6] =	sst s9  }
0x3f: {  	s11 =	simm.s32 $0xF80;
	[smem:$0x7E7] =	sst s10  }
0x40: {  	s12 =	simm.s32 $0x2B80;
	[smem:$0x7E8] =	sst s11  }
0x41: {  	s13 =	simm.s32 $0x1000;
	[smem:$0x7E9] =	sst s12  }
0x42: {  	s28 =	simm.s32 $0x1;
	s14 =	simm.s32 $0x2C00;
	[smem:$0x7EA] =	sst s13  }
0x43: {  	s6 =	ssub.s32 $0x2, s6;
	s15 =	simm.s32 $0x1080;
	[smem:$0x7EB] =	sst s14  }
0x44: {  	s7 =	simm.s32 $0x8000;
	s16 =	simm.s32 $0x2C80;
	[smem:$0x7EC] =	sst s15  }
0x45: {  	s3 =	sadd.s32 s3, s5;
	s17 =	simm.s32 $0x1100;
	[smem:$0x7ED] =	sst s16  }
0x46: {  	s18 =	simm.s32 $0x2D00;
	s19 =	simm.s32 $0x1180;
	[smem:$0x7EE] =	sst s17  }
0x47: {  	s20 =	simm.s32 $0x2D80;
	s4 =	sadd.s32 s4, s5;
	[smem:$0x7EF] =	sst s18  }
0x48: {  	s21 =	sadd.s32 $0x6000, s3;
	s8 =	simm.s32 $0x2A80;
	[smem:$0x7F0] =	sst s19  }
0x49: {  	[smem:$0x7F1] =	sst s20;
	s22 =	simm.s32 $0x2E00;
	s23 =	simm.s32 $0x1280  }
0x4a: {  	s24 =	sshrl.u32 s6, $0x1;
	s25 =	simm.s32 $0x2E80;
	[dreg:$0x7] =	wrdreg s21  }
0x4b: {  	s26 =	simm.s32 $0x1300;
	s29 =	simm.s32 $0x2F00;
	[smem:$0x7E5] =	sst s8  }
0x4c: {  	s30 =	simm.s32 $0x1380;
	s31 =	simm.s32 $0x2F80;
	[smem:$0x7F3] =	sst s22  }
0x4d: {  	s9 =	simm.s32 $0x1400;
	s10 =	simm.s32 $0x3000;
	[smem:$0x7F4] =	sst s23  }
0x4e: {  	s11 =	simm.s32 $0x1480;
	s12 =	simm.s32 $0x3080;
	[smem:$0x7F5] =	sst s25  }
0x4f: {  	s13 =	simm.s32 $0x3100;
	s14 =	simm.s32 $0x1580;
	[smem:$0x7F6] =	sst s26  }
0x50: {  	s15 =	simm.s32 $0x3180;
	s16 =	simm.s32 $0x1600;
	[smem:$0x7F7] =	sst s29  }
0x51: {  	s17 =	simm.s32 $0x3200;
	s18 =	simm.s32 $0x1680;
	[smem:$0x7F8] =	sst s30  }
0x52: {  	s19 =	simm.s32 $0x3280;
	s20 =	simm.s32 $0x1700;
	[smem:$0x7F9] =	sst s31  }
0x53: {  	s21 =	simm.s32 $0x680;
	s6 =	ssub.s32 s6, s24;
	[smem:$0x7FA] =	sst s9  }
0x54: {  	s8 =	simm.s32 $0x1800;
	s9 =	simm.s32 $0x2;
	[smem:$0x7FB] =	sst s10  }
0x55: {  	s10 =	simm.s32 $0x80;
	[smem:$0x7FC] =	sst s11;
	s11 =	simm.s32 $0x1C00  }
0x56: {  	[smem:$0x7FD] =	sst s12;
	s12 =	simm.s32 $0x1500;
	s22 =	simm.s32 $0x1780  }
0x57: {  	s23 =	simm.s32 $0x3380;
	s24 =	simm.s32 $0x3400;
	s25 =	simm.s32 $0x1880  }
0x58: {  	s26 =	simm.s32 $0x3480;
	[dreg:$0x1e] =	wrdreg s21;
	s21 =	simm.s32 $0x2800  }
0x59: {  	s5 =	smax.u32 s6, $0x1;
	[smem:$0x7DB] =	sst s21;
	s21 =	simm.s32 $0x1200  }
0x5a: {  	s6 =	simm.s32 $0x400;
	[smem:$0x7F2] =	sst s21;
	s21 =	simm.s32 $0x3300  }
.LBB2_1:
0x5b: {  	s29 =	rddreg [dreg:$0x5]  }
0x5c: {  	s30 =	rddreg [dreg:$0x6];
	s31 =	simm.s32 @!p0 $0x1C02  }
0x5d: {  	[spmem:s30], [sflag:s31] =	dma.local @!p0 [hbm:s29], $0x30E0  }
0x5e: {  	s29 =	simm.s32 @!p0 $0x2  }
0x5f: {  	_ =	swait.ge @!p0 [sflag:s29], $0x30E0  }
0x60: {  	[sflag:s29] =	ssyncset.done @!p0 $0x0  }
0x61: {  	[sflag:s29] =	ssyncadd.s32 @!p0 $0xFFFFCF20  }
0x62: {  	[tilespmem:s2], [sflag:$0x2] =	stream.strided.gather [hbm4b:s3+s6], $0x1800, s7, s6, $0x38;
	[tilespmem:$0x5070] =	vst v63  }
0x63: {  	s0 =	rddreg [dreg:$0x7]  }
0x64: {  	[tilespmem:s8], [sflag:$0x2] =	stream.linear.gather [hbm4b:s0+s2], $0x100, $0x38;
	[tilespmem:$0x5070] =	vst v63  }
0x65: {  	_ =	swait.ge [sflag:s9], $0x1900  }
0x66: {  	[sflag:s9] =	ssyncset.done $0x0  }
0x67: {  	[sflag:s9] =	ssyncadd.s32 $0xFFFFE700  }
0x68: {  	[bflag:$0x0] =	sbarrier.arrive $0xFFFF  }
0x69: {  	s30 =	rddreg [dreg:$0x8]  }
0x6a: {  	[tilespmem:s11], [sflag:$0x1] =	stream.indirect.gather [spmem:s1], $0x1, s2, s10, $0xb8;
	[tilespmem:$0x5070] =	vst v63  }
0x6b: {  	s29 =	rddreg [dreg:$0x9]  }
0x6c: {  	s31 =	rddreg [dreg:$0xb]  }
0x6d: {  	s0 =	rddreg [dreg:$0xc]  }
0x6e: {  	[tilespmem:s30], [sflag:$0x1] =	stream.indirect.gather [spmem:s1], $0x1, s10, s10, $0xb8;
	[tilespmem:$0x5070] =	vst v63  }
0x6f: {  	s30 =	rddreg [dreg:$0xa]  }
0x70: {  	[tilespmem:s30], [sflag:$0x1] =	stream.indirect.gather [spmem:s1], $0x1, s29, s10, $0xb8;
	[tilespmem:$0x5070] =	vst v63  }
0x71: {  	s29 =	rddreg [dreg:$0xe]  }
0x72: {  	s30 =	rddreg [dreg:$0xf]  }
0x73: {  	[tilespmem:s0], [sflag:$0x1] =	stream.indirect.gather [spmem:s1], $0x1, s31, s10, $0xb8;
	[tilespmem:$0x5070] =	vst v63  }
0x74: {  	s0 =	rddreg [dreg:$0xd]  }
0x75: {  	s31 =	rddreg [dreg:$0x10]  }
0x76: {  	[tilespmem:s29], [sflag:$0x1] =	stream.indirect.gather [spmem:s1], $0x1, s0, s10, $0xb8;
	[tilespmem:$0x5070] =	vst v63  }
0x77: {  	s0 =	rddreg [dreg:$0x11]  }
0x78: {  	s29 =	rddreg [dreg:$0x12]  }
0x79: {  	[tilespmem:s31], [sflag:$0x1] =	stream.indirect.gather [spmem:s1], $0x1, s30, s10, $0xb8;
	[tilespmem:$0x5070] =	vst v63  }
0x7a: {  	s30 =	rddreg [dreg:$0x13]  }
0x7b: {  	s31 =	rddreg [dreg:$0x14]  }
0x7c: {  	[tilespmem:s29], [sflag:$0x1] =	stream.indirect.gather [spmem:s1], $0x1, s0, s10, $0xb8;
	[tilespmem:$0x5070] =	vst v63  }
0x7d: {  	s0 =	rddreg [dreg:$0x15]  }
0x7e: {  	s29 =	rddreg [dreg:$0x16]  }
0x7f: {  	[tilespmem:s31], [sflag:$0x1] =	stream.indirect.gather [spmem:s1], $0x1, s30, s10, $0xb8;
	[tilespmem:$0x5070] =	vst v63  }
0x80: {  	s31 =	rddreg [dreg:$0x17]  }
0x81: {  	s30 =	rddreg [dreg:$0x1a]  }
0x82: {  	[tilespmem:s0], [sflag:$0x1] =	stream.indirect.gather [spmem:s1], $0x1, s6, s10, $0xb8;
	[tilespmem:$0x5070] =	vst v63  }
0x83: {  	s0 =	rddreg [dreg:$0x18]  }
0x84: {  	[tilespmem:s31], [sflag:$0x1] =	stream.indirect.gather [spmem:s1], $0x1, s29, s10, $0xb8;
	[tilespmem:$0x5070] =	vst v63  }
0x85: {  	s29 =	rddreg [dreg:$0x19]  }
0x86: {  	s31 =	rddreg [dreg:$0x1b]  }
0x87: {  	[tilespmem:s29], [sflag:$0x1] =	stream.indirect.gather [spmem:s1], $0x1, s0, s10, $0xb8;
	[tilespmem:$0x5070] =	vst v63  }
0x88: {  	s0 =	rddreg [dreg:$0x1c]  }
0x89: {  	s29 =	rddreg [dreg:$0x1d]  }
0x8a: {  	[tilespmem:s31], [sflag:$0x1] =	stream.indirect.gather [spmem:s1], $0x1, s30, s10, $0xb8;
	[tilespmem:$0x5070] =	vst v63  }
0x8b: {  	s30 =	rddreg [dreg:$0x1e]  }
0x8c: {  	s31 =	rddreg [dreg:$0x1f]  }
0x8d: {  	[tilespmem:s29], [sflag:$0x1] =	stream.indirect.gather [spmem:s1], $0x1, s0, s10, $0xb8;
	[tilespmem:$0x5070] =	vst v63  }
0x8e: {  	s0 =	sld [smem:$0x7C6]  }
0x8f: {  	s29 =	sld [smem:$0x7C7]  }
0x90: {  	[tilespmem:s31], [sflag:$0x1] =	stream.indirect.gather [spmem:s1], $0x1, s30, s10, $0xb8;
	[tilespmem:$0x5070] =	vst v63  }
0x91: {  	s30 =	sld [smem:$0x7C8]  }
0x92: {  	s31 =	sld [smem:$0x7C9]  }
0x93: {  	[tilespmem:s29], [sflag:$0x1] =	stream.indirect.gather [spmem:s1], $0x1, s0, s10, $0xb8;
	[tilespmem:$0x5070] =	vst v63  }
0x94: {  	s0 =	sld [smem:$0x7CA]  }
0x95: {  	s29 =	sld [smem:$0x7CB]  }
0x96: {  	[tilespmem:s31], [sflag:$0x1] =	stream.indirect.gather [spmem:s1], $0x1, s30, s10, $0xb8;
	[tilespmem:$0x5070] =	vst v63  }
0x97: {  	s30 =	sld [smem:$0x7CC]  }
0x98: {  	s31 =	sld [smem:$0x7CD]  }
0x99: {  	[tilespmem:s29], [sflag:$0x1] =	stream.indirect.gather [spmem:s1], $0x1, s0, s10, $0xb8;
	[tilespmem:$0x5070] =	vst v63  }
0x9a: {  	s0 =	sld [smem:$0x7CE]  }
0x9b: {  	s29 =	sld [smem:$0x7CF]  }
0x9c: {  	[tilespmem:s31], [sflag:$0x1] =	stream.indirect.gather [spmem:s1], $0x1, s30, s10, $0xb8;
	[tilespmem:$0x5070] =	vst v63  }
0x9d: {  	s30 =	sld [smem:$0x7D0]  }
0x9e: {  	s31 =	sld [smem:$0x7D1]  }
0x9f: {  	[tilespmem:s29], [sflag:$0x1] =	stream.indirect.gather [spmem:s1], $0x1, s0, s10, $0xb8;
	[tilespmem:$0x5070] =	vst v63  }
0xa0: {  	s0 =	sld [smem:$0x7D2]  }
0xa1: {  	s29 =	sld [smem:$0x7D3]  }
0xa2: {  	[tilespmem:s31], [sflag:$0x1] =	stream.indirect.gather [spmem:s1], $0x1, s30, s10, $0xb8;
	[tilespmem:$0x5070] =	vst v63  }
0xa3: {  	s30 =	sld [smem:$0x7D4]  }
0xa4: {  	s31 =	sld [smem:$0x7D5]  }
0xa5: {  	[tilespmem:s29], [sflag:$0x1] =	stream.indirect.gather [spmem:s1], $0x1, s0, s10, $0xb8;
	[tilespmem:$0x5070] =	vst v63  }
0xa6: {  	s0 =	sld [smem:$0x7D6]  }
0xa7: {  	s29 =	sld [smem:$0x7D7]  }
0xa8: {  	[tilespmem:s31], [sflag:$0x1] =	stream.indirect.gather [spmem:s1], $0x1, s30, s10, $0xb8;
	[tilespmem:$0x5070] =	vst v63  }
0xa9: {  	s30 =	sld [smem:$0x7D8]  }
0xaa: {  	s31 =	sld [smem:$0x7D9]  }
0xab: {  	[tilespmem:s29], [sflag:$0x1] =	stream.indirect.gather [spmem:s1], $0x1, s0, s10, $0xb8;
	[tilespmem:$0x5070] =	vst v63  }
0xac: {  	s0 =	sld [smem:$0x7DA]  }
0xad: {  	s29 =	sld [smem:$0x7DB]  }
0xae: {  	[tilespmem:s31], [sflag:$0x1] =	stream.indirect.gather [spmem:s1], $0x1, s30, s10, $0xb8;
	[tilespmem:$0x5070] =	vst v63  }
0xaf: {  	s30 =	sld [smem:$0x7DC]  }
0xb0: {  	s31 =	sld [smem:$0x7DD]  }
0xb1: {  	[tilespmem:s29], [sflag:$0x1] =	stream.indirect.gather [spmem:s1], $0x1, s0, s10, $0xb8;
	[tilespmem:$0x5070] =	vst v63  }
0xb2: {  	s0 =	sld [smem:$0x7DE]  }
0xb3: {  	s29 =	sld [smem:$0x7DF]  }
0xb4: {  	[tilespmem:s31], [sflag:$0x1] =	stream.indirect.gather [spmem:s1], $0x1, s30, s10, $0xb8;
	[tilespmem:$0x5070] =	vst v63  }
0xb5: {  	s30 =	sld [smem:$0x7E0]  }
0xb6: {  	s31 =	sld [smem:$0x7E1]  }
0xb7: {  	[tilespmem:s29], [sflag:$0x1] =	stream.indirect.gather [spmem:s1], $0x1, s0, s10, $0xb8;
	[tilespmem:$0x5070] =	vst v63  }
0xb8: {  	s0 =	sld [smem:$0x7E2]  }
0xb9: {  	s29 =	sld [smem:$0x7E3]  }
0xba: {  	[tilespmem:s31], [sflag:$0x1] =	stream.indirect.gather [spmem:s1], $0x1, s30, s10, $0xb8;
	[tilespmem:$0x5070] =	vst v63  }
0xbb: {  	s30 =	sld [smem:$0x7E4]  }
0xbc: {  	s31 =	sld [smem:$0x7E5]  }
0xbd: {  	[tilespmem:s29], [sflag:$0x1] =	stream.indirect.gather [spmem:s1], $0x1, s0, s10, $0xb8;
	[tilespmem:$0x5070] =	vst v63  }
0xbe: {  	s0 =	sld [smem:$0x7E6]  }
0xbf: {  	s29 =	sld [smem:$0x7E7]  }
0xc0: {  	[tilespmem:s31], [sflag:$0x1] =	stream.indirect.gather [spmem:s1], $0x1, s30, s10, $0xb8;
	[tilespmem:$0x5070] =	vst v63  }
0xc1: {  	s30 =	sld [smem:$0x7E8]  }
0xc2: {  	s31 =	sld [smem:$0x7E9]  }
0xc3: {  	[tilespmem:s29], [sflag:$0x1] =	stream.indirect.gather [spmem:s1], $0x1, s0, s10, $0xb8;
	[tilespmem:$0x5070] =	vst v63  }
0xc4: {  	s0 =	sld [smem:$0x7EA]  }
0xc5: {  	s29 =	sld [smem:$0x7EB]  }
0xc6: {  	[tilespmem:s31], [sflag:$0x1] =	stream.indirect.gather [spmem:s1], $0x1, s30, s10, $0xb8;
	[tilespmem:$0x5070] =	vst v63  }
0xc7: {  	s30 =	sld [smem:$0x7EC]  }
0xc8: {  	s31 =	sld [smem:$0x7ED]  }
0xc9: {  	[tilespmem:s29], [sflag:$0x1] =	stream.indirect.gather [spmem:s1], $0x1, s0, s10, $0xb8;
	[tilespmem:$0x5070] =	vst v63  }
0xca: {  	s0 =	sld [smem:$0x7EE]  }
0xcb: {  	s29 =	sld [smem:$0x7EF]  }
0xcc: {  	[tilespmem:s31], [sflag:$0x1] =	stream.indirect.gather [spmem:s1], $0x1, s30, s10, $0xb8;
	[tilespmem:$0x5070] =	vst v63  }
0xcd: {  	s30 =	sld [smem:$0x7F0]  }
0xce: {  	s31 =	sld [smem:$0x7F1]  }
0xcf: {  	[tilespmem:s29], [sflag:$0x1] =	stream.indirect.gather [spmem:s1], $0x1, s0, s10, $0xb8;
	[tilespmem:$0x5070] =	vst v63  }
0xd0: {  	s0 =	sld [smem:$0x7F2]  }
0xd1: {  	s29 =	sld [smem:$0x7F3]  }
0xd2: {  	[tilespmem:s31], [sflag:$0x1] =	stream.indirect.gather [spmem:s1], $0x1, s30, s10, $0xb8;
	[tilespmem:$0x5070] =	vst v63  }
0xd3: {  	s30 =	sld [smem:$0x7F4]  }
0xd4: {  	s31 =	sld [smem:$0x7F5]  }
0xd5: {  	[tilespmem:s29], [sflag:$0x1] =	stream.indirect.gather [spmem:s1], $0x1, s0, s10, $0xb8;
	[tilespmem:$0x5070] =	vst v63  }
0xd6: {  	s0 =	sld [smem:$0x7F6]  }
0xd7: {  	s29 =	sld [smem:$0x7F7]  }
0xd8: {  	[tilespmem:s31], [sflag:$0x1] =	stream.indirect.gather [spmem:s1], $0x1, s30, s10, $0xb8;
	[tilespmem:$0x5070] =	vst v63  }
0xd9: {  	s30 =	sld [smem:$0x7F8]  }
0xda: {  	s31 =	sld [smem:$0x7F9]  }
0xdb: {  	[tilespmem:s29], [sflag:$0x1] =	stream.indirect.gather [spmem:s1], $0x1, s0, s10, $0xb8;
	[tilespmem:$0x5070] =	vst v63  }
0xdc: {  	s0 =	sld [smem:$0x7FA]  }
0xdd: {  	s29 =	sld [smem:$0x7FB]  }
0xde: {  	[tilespmem:s31], [sflag:$0x1] =	stream.indirect.gather [spmem:s1], $0x1, s30, s10, $0xb8;
	[tilespmem:$0x5070] =	vst v63  }
0xdf: {  	s30 =	sld [smem:$0x7FC]  }
0xe0: {  	s31 =	sld [smem:$0x7FD]  }
0xe1: {  	[tilespmem:s29], [sflag:$0x1] =	stream.indirect.gather [spmem:s1], $0x1, s0, s10, $0xb8;
	[tilespmem:$0x5070] =	vst v63  }
0xe2: {  	_ = 	snop  }
0xe3: {  	[tilespmem:s31], [sflag:$0x1] =	stream.indirect.gather [spmem:s1], $0x1, s30, s10, $0xb8;
	[tilespmem:$0x5070] =	vst v63  }
0xe4: {  	_ = 	snop  }
0xe5: {  	[tilespmem:s13], [sflag:$0x1] =	stream.indirect.gather [spmem:s1], $0x1, s12, s10, $0xb8;
	[tilespmem:$0x5070] =	vst v63  }
0xe6: {  	_ = 	snop  }
0xe7: {  	[tilespmem:s15], [sflag:$0x1] =	stream.indirect.gather [spmem:s1], $0x1, s14, s10, $0xb8;
	[tilespmem:$0x5070] =	vst v63  }
0xe8: {  	_ = 	snop  }
0xe9: {  	[tilespmem:s17], [sflag:$0x1] =	stream.indirect.gather [spmem:s1], $0x1, s16, s10, $0xb8;
	[tilespmem:$0x5070] =	vst v63  }
0xea: {  	_ = 	snop  }
0xeb: {  	[tilespmem:s19], [sflag:$0x1] =	stream.indirect.gather [spmem:s1], $0x1, s18, s10, $0xb8;
	[tilespmem:$0x5070] =	vst v63  }
0xec: {  	_ = 	snop  }
0xed: {  	[tilespmem:s21], [sflag:$0x1] =	stream.indirect.gather [spmem:s1], $0x1, s20, s10, $0xb8;
	[tilespmem:$0x5070] =	vst v63  }
0xee: {  	_ = 	snop  }
0xef: {  	[tilespmem:s23], [sflag:$0x1] =	stream.indirect.gather [spmem:s1], $0x1, s22, s10, $0xb8;
	[tilespmem:$0x5070] =	vst v63  }
0xf0: {  	_ = 	snop  }
0xf1: {  	[tilespmem:s24], [sflag:$0x1] =	stream.indirect.gather [spmem:s1], $0x1, s8, s10, $0xb8;
	[tilespmem:$0x5070] =	vst v63  }
0xf2: {  	_ = 	snop  }
0xf3: {  	[tilespmem:s26], [sflag:$0x1] =	stream.indirect.gather [spmem:s1], $0x1, s25, s10, $0xb8;
	[tilespmem:$0x5070] =	vst v63  }
0xf4: {  	_ =	swait.ge [sflag:s28], $0x80  }
0xf5: {  	[sflag:s28] =	ssyncset.done $0x0  }
0xf6: {  	[sflag:s28] =	ssyncadd.s32 $0xFFFFFF80  }
0xf7: {  	_ =	swait.ge [sflag:s28], $0x80  }
0xf8: {  	[sflag:s28] =	ssyncset.done $0x0  }
0xf9: {  	[sflag:s28] =	ssyncadd.s32 $0xFFFFFF80  }
0xfa: {  	_ =	swait.ge [sflag:s28], $0x80  }
0xfb: {  	[sflag:s28] =	ssyncset.done $0x0  }
0xfc: {  	[sflag:s28] =	ssyncadd.s32 $0xFFFFFF80  }
0xfd: {  	_ =	swait.ge [sflag:s28], $0x80  }
0xfe: {  	[sflag:s28] =	ssyncset.done $0x0  }
0xff: {  	[sflag:s28] =	ssyncadd.s32 $0xFFFFFF80  }
0x100: {  	_ =	swait.ge [sflag:s28], $0x80  }
0x101: {  	[sflag:s28] =	ssyncset.done $0x0  }
0x102: {  	[sflag:s28] =	ssyncadd.s32 $0xFFFFFF80  }
0x103: {  	_ =	swait.ge [sflag:s28], $0x80  }
0x104: {  	[sflag:s28] =	ssyncset.done $0x0  }
0x105: {  	[sflag:s28] =	ssyncadd.s32 $0xFFFFFF80  }
0x106: {  	_ =	swait.ge [sflag:s28], $0x80  }
0x107: {  	[sflag:s28] =	ssyncset.done $0x0  }
0x108: {  	[sflag:s28] =	ssyncadd.s32 $0xFFFFFF80  }
0x109: {  	_ =	swait.ge [sflag:s28], $0x80  }
0x10a: {  	[sflag:s28] =	ssyncset.done $0x0  }
0x10b: {  	[sflag:s28] =	ssyncadd.s32 $0xFFFFFF80  }
0x10c: {  	_ =	swait.ge [sflag:s28], $0x80  }
0x10d: {  	[sflag:s28] =	ssyncset.done $0x0  }
0x10e: {  	[sflag:s28] =	ssyncadd.s32 $0xFFFFFF80  }
0x10f: {  	_ =	swait.ge [sflag:s28], $0x80  }
0x110: {  	[sflag:s28] =	ssyncset.done $0x0  }
0x111: {  	[sflag:s28] =	ssyncadd.s32 $0xFFFFFF80  }
0x112: {  	_ =	swait.ge [sflag:s28], $0x80  }
0x113: {  	[sflag:s28] =	ssyncset.done $0x0  }
0x114: {  	[sflag:s28] =	ssyncadd.s32 $0xFFFFFF80  }
0x115: {  	_ =	swait.ge [sflag:s28], $0x80  }
0x116: {  	[sflag:s28] =	ssyncset.done $0x0  }
0x117: {  	[sflag:s28] =	ssyncadd.s32 $0xFFFFFF80  }
0x118: {  	_ =	swait.ge [sflag:s28], $0x80  }
0x119: {  	[sflag:s28] =	ssyncset.done $0x0  }
0x11a: {  	[sflag:s28] =	ssyncadd.s32 $0xFFFFFF80  }
0x11b: {  	_ =	swait.ge [sflag:s28], $0x80  }
0x11c: {  	[sflag:s28] =	ssyncset.done $0x0  }
0x11d: {  	[sflag:s28] =	ssyncadd.s32 $0xFFFFFF80  }
0x11e: {  	_ =	swait.ge [sflag:s28], $0x80  }
0x11f: {  	[sflag:s28] =	ssyncset.done $0x0  }
0x120: {  	[sflag:s28] =	ssyncadd.s32 $0xFFFFFF80  }
0x121: {  	_ =	swait.ge [sflag:s28], $0x80  }
0x122: {  	[sflag:s28] =	ssyncset.done $0x0  }
0x123: {  	[sflag:s28] =	ssyncadd.s32 $0xFFFFFF80  }
0x124: {  	_ =	swait.ge [sflag:s28], $0x80  }
0x125: {  	[sflag:s28] =	ssyncset.done $0x0  }
0x126: {  	[sflag:s28] =	ssyncadd.s32 $0xFFFFFF80  }
0x127: {  	_ =	swait.ge [sflag:s28], $0x80  }
0x128: {  	[sflag:s28] =	ssyncset.done $0x0  }
0x129: {  	[sflag:s28] =	ssyncadd.s32 $0xFFFFFF80  }
0x12a: {  	_ =	swait.ge [sflag:s28], $0x80  }
0x12b: {  	[sflag:s28] =	ssyncset.done $0x0  }
0x12c: {  	[sflag:s28] =	ssyncadd.s32 $0xFFFFFF80  }
0x12d: {  	_ =	swait.ge [sflag:s28], $0x80  }
0x12e: {  	[sflag:s28] =	ssyncset.done $0x0  }
0x12f: {  	[sflag:s28] =	ssyncadd.s32 $0xFFFFFF80  }
0x130: {  	_ =	swait.ge [sflag:s28], $0x80  }
0x131: {  	[sflag:s28] =	ssyncset.done $0x0  }
0x132: {  	[sflag:s28] =	ssyncadd.s32 $0xFFFFFF80  }
0x133: {  	_ =	swait.ge [sflag:s28], $0x80  }
0x134: {  	[sflag:s28] =	ssyncset.done $0x0  }
0x135: {  	[sflag:s28] =	ssyncadd.s32 $0xFFFFFF80  }
0x136: {  	_ =	swait.ge [sflag:s28], $0x80  }
0x137: {  	[sflag:s28] =	ssyncset.done $0x0  }
0x138: {  	[sflag:s28] =	ssyncadd.s32 $0xFFFFFF80  }
0x139: {  	_ =	swait.ge [sflag:s28], $0x80  }
0x13a: {  	[sflag:s28] =	ssyncset.done $0x0  }
0x13b: {  	[sflag:s28] =	ssyncadd.s32 $0xFFFFFF80  }
0x13c: {  	_ =	swait.ge [sflag:s28], $0x80  }
0x13d: {  	[sflag:s28] =	ssyncset.done $0x0  }
0x13e: {  	[sflag:s28] =	ssyncadd.s32 $0xFFFFFF80  }
0x13f: {  	_ =	swait.ge [sflag:s28], $0x80  }
0x140: {  	[sflag:s28] =	ssyncset.done $0x0  }
0x141: {  	[sflag:s28] =	ssyncadd.s32 $0xFFFFFF80  }
0x142: {  	_ =	swait.ge [sflag:s28], $0x80  }
0x143: {  	[sflag:s28] =	ssyncset.done $0x0  }
0x144: {  	[sflag:s28] =	ssyncadd.s32 $0xFFFFFF80  }
0x145: {  	_ =	swait.ge [sflag:s28], $0x80  }
0x146: {  	[sflag:s28] =	ssyncset.done $0x0  }
0x147: {  	[sflag:s28] =	ssyncadd.s32 $0xFFFFFF80  }
0x148: {  	_ =	swait.ge [sflag:s28], $0x80  }
0x149: {  	[sflag:s28] =	ssyncset.done $0x0  }
0x14a: {  	[sflag:s28] =	ssyncadd.s32 $0xFFFFFF80  }
0x14b: {  	_ =	swait.ge [sflag:s28], $0x80  }
0x14c: {  	[sflag:s28] =	ssyncset.done $0x0  }
0x14d: {  	[sflag:s28] =	ssyncadd.s32 $0xFFFFFF80  }
0x14e: {  	_ =	swait.ge [sflag:s28], $0x80  }
0x14f: {  	[sflag:s28] =	ssyncset.done $0x0  }
0x150: {  	[sflag:s28] =	ssyncadd.s32 $0xFFFFFF80  }
0x151: {  	_ =	swait.ge [sflag:s28], $0x80  }
0x152: {  	[sflag:s28] =	ssyncset.done $0x0  }
0x153: {  	[sflag:s28] =	ssyncadd.s32 $0xFFFFFF80  }
0x154: {  	_ =	swait.ge [sflag:s28], $0x80  }
0x155: {  	[sflag:s28] =	ssyncset.done $0x0  }
0x156: {  	[sflag:s28] =	ssyncadd.s32 $0xFFFFFF80  }
0x157: {  	_ =	swait.ge [sflag:s28], $0x80  }
0x158: {  	[sflag:s28] =	ssyncset.done $0x0  }
0x159: {  	[sflag:s28] =	ssyncadd.s32 $0xFFFFFF80  }
0x15a: {  	_ =	swait.ge [sflag:s28], $0x80  }
0x15b: {  	[sflag:s28] =	ssyncset.done $0x0  }
0x15c: {  	[sflag:s28] =	ssyncadd.s32 $0xFFFFFF80  }
0x15d: {  	_ =	swait.ge [sflag:s28], $0x80  }
0x15e: {  	[sflag:s28] =	ssyncset.done $0x0  }
0x15f: {  	[sflag:s28] =	ssyncadd.s32 $0xFFFFFF80  }
0x160: {  	_ =	swait.ge [sflag:s28], $0x80  }
0x161: {  	[sflag:s28] =	ssyncset.done $0x0  }
0x162: {  	[sflag:s28] =	ssyncadd.s32 $0xFFFFFF80  }
0x163: {  	_ =	swait.ge [sflag:s28], $0x80  }
0x164: {  	[sflag:s28] =	ssyncset.done $0x0  }
0x165: {  	[sflag:s28] =	ssyncadd.s32 $0xFFFFFF80  }
0x166: {  	_ =	swait.ge [sflag:s28], $0x80  }
0x167: {  	[sflag:s28] =	ssyncset.done $0x0  }
0x168: {  	[sflag:s28] =	ssyncadd.s32 $0xFFFFFF80  }
0x169: {  	_ =	swait.ge [sflag:s28], $0x80  }
0x16a: {  	[sflag:s28] =	ssyncset.done $0x0  }
0x16b: {  	[sflag:s28] =	ssyncadd.s32 $0xFFFFFF80  }
0x16c: {  	_ =	swait.ge [sflag:s28], $0x80  }
0x16d: {  	[sflag:s28] =	ssyncset.done $0x0  }
0x16e: {  	[sflag:s28] =	ssyncadd.s32 $0xFFFFFF80  }
0x16f: {  	_ =	swait.ge [sflag:s28], $0x80  }
0x170: {  	[sflag:s28] =	ssyncset.done $0x0  }
0x171: {  	[sflag:s28] =	ssyncadd.s32 $0xFFFFFF80  }
0x172: {  	_ =	swait.ge [sflag:s28], $0x80  }
0x173: {  	[sflag:s28] =	ssyncset.done $0x0  }
0x174: {  	[sflag:s28] =	ssyncadd.s32 $0xFFFFFF80  }
0x175: {  	_ =	swait.ge [sflag:s28], $0x80  }
0x176: {  	[sflag:s28] =	ssyncset.done $0x0  }
0x177: {  	[sflag:s28] =	ssyncadd.s32 $0xFFFFFF80  }
0x178: {  	_ =	swait.ge [sflag:s28], $0x80  }
0x179: {  	[sflag:s28] =	ssyncset.done $0x0  }
0x17a: {  	[sflag:s28] =	ssyncadd.s32 $0xFFFFFF80  }
0x17b: {  	_ =	swait.ge [sflag:s28], $0x80  }
0x17c: {  	[sflag:s28] =	ssyncset.done $0x0  }
0x17d: {  	[sflag:s28] =	ssyncadd.s32 $0xFFFFFF80  }
0x17e: {  	_ =	swait.ge [sflag:s28], $0x80  }
0x17f: {  	[sflag:s28] =	ssyncset.done $0x0  }
0x180: {  	[sflag:s28] =	ssyncadd.s32 $0xFFFFFF80  }
0x181: {  	_ =	swait.ge [sflag:s28], $0x80  }
0x182: {  	[sflag:s28] =	ssyncset.done $0x0  }
0x183: {  	[sflag:s28] =	ssyncadd.s32 $0xFFFFFF80  }
0x184: {  	_ =	swait.ge [sflag:s28], $0x80  }
0x185: {  	[sflag:s28] =	ssyncset.done $0x0  }
0x186: {  	[sflag:s28] =	ssyncadd.s32 $0xFFFFFF80  }
0x187: {  	_ =	swait.ge [sflag:s28], $0x80  }
0x188: {  	s5 =	sadd.s32 $0xFFFFFFFF, s5;
	[sflag:s28] =	ssyncset.done $0x0  }
0x189: {  	p1 =	sne.s32 s5, $0x0;
	[sflag:s28] =	ssyncadd.s32 $0xFFFFFF80  }
0x18a: {  	[hbm4b:s4+s6] =	stream.strided.scatter [tilespmem:s11], [sflag:$0x2], $0x1800, s7, s6, $0x38;
	[tilespmem:$0x5070] =	vst v63  }
.Ltmp0:
0x18b: {  	s31 =	sadd.s32 $0x6000, s4;
	(pc) =	sbr.rel @p1 .LBB2_1-.Ltmp0, $4  }
0x18c: {  	[hbm4b:s31+s2] =	stream.linear.scatter [tilespmem:s24], [sflag:$0x2], $0x100, $0x38;
	[tilespmem:$0x5070] =	vst v63  }
0x18d: {  	_ =	swait.ge [sflag:s9], $0x1900  }
0x18e: {  	[sflag:s9] =	ssyncset.done $0x0  }
0x18f: {  	[sflag:s9] =	ssyncadd.s32 $0xFFFFE700  }
0x190: {  	_ =	sfence.sel $0x180000  }
0x191: {  	[bflag:$0x0] =	sbarrier.arrive $0xFFFF  }
0x192: {  	_ =	strace $0x90000047  }
0x193: {  	[bflag:$0x2] =	sbarrier.arrive $0xFFFF  }
0x194: {  	s0 =	rddreg [dreg:$0x4]  }
0x195: {  	s0 =	sadd.s32 @!p0 $0x100000, s0  }
0x196: {  	[sflag:s0] =	ssyncadd.tile.s32 @!p0 $0x1;
	_ =	shalt  }
.Lfunc_end2:
_tile_overlayer_lowered:
.L_overlay_start_2:
0x197: {  	(tag) =	ssettag $0x2  }
0x198: {  	s0 =	rddreg [dreg:$0x0];
	s2 =	stileid.u32  }
0x199: {  	s1 =	rddreg [dreg:$0x1];
	p0 =	sne.s32 s2, $0x0  }
0x19a: {  	s3 =	rddreg [dreg:$0x2];
	[bflag:$0x3] =	sbarrier.arrive $0xFFFF;
	s2 =	simm.s32 @!p0 $0x1C02  }
0x19b: {  	[timem:s3], [sflag:s2] =	dma.local @!p0 [hbm:s0], s1  }
0x19c: {  	s0 =	simm.s32 @!p0 $0x2  }
0x19d: {  	_ =	swait.ge @!p0 [sflag:s0], s1  }
0x19e: {  	s1 =	ssub.s32 @!p0 $0x0, s1;
	[sflag:s0] =	ssyncset.done @!p0 $0x0  }
0x19f: {  	[sflag:s0] =	ssyncadd.s32 @!p0 s1  }
0x1a0: {  	[bflag:$0x3] =	sbarrier.arrive $0xFFFF  }
0x1a1: {  	_ =	shalt  }

</sc_bundles>
